<compile_context>
chip_gen: v7x
topology: tpu7x:2x2x1
jax: 0.10.2.dev20260603
libtpu: 0.0.44.dev20260713+nightly
codegen_flags: <defaults>
</compile_context>

<pallas_src>
import jax
import jax.numpy as jnp
from jax import lax
from jax.experimental import pallas as pl
from jax.experimental.pallas import tpu as pltpu
from jax.experimental.pallas import tpu_sc as plsc

SHIFT = 8192
ROWS = 64
L_IN = 160000
L_OUT = L_IN - SHIFT
N_CHUNK = 8
CH = L_OUT // N_CHUNK
CH_LAST = L_OUT - (N_CHUNK - 1) * CH
assert CH % 16 == 0 and CH_LAST % 16 == 0 and 0 < CH_LAST <= CH
ROWS_PER_W = 2
N_ITEMS = ROWS_PER_W * N_CHUNK


def _shift_body(w_hbm, offs_hbm, out_hbm, offs_v, in_buf0, in_buf1, in_buf2,
                out_buf0, out_buf1, out_buf2, sem_in0, sem_in1, sem_in2,
                sem_out0, sem_out1, sem_out2):
    nc = 2
    wid = lax.axis_index("s") * nc + lax.axis_index("c")
    pltpu.sync_copy(offs_hbm, offs_v)
    r0 = wid * ROWS_PER_W
    vec = offs_v[r0 // 16]
    lane0 = jnp.zeros((16,), jnp.int32) + r0 % 16
    dnums = lax.GatherDimensionNumbers(
        offset_dims=(), collapsed_slice_dims=(0,), start_index_map=(0,))

    def _splat(lanes):
        return lax.gather(vec, lanes[:, None], dnums, slice_sizes=(1,),
                          mode=lax.GatherScatterMode.PROMISE_IN_BOUNDS)

    off_vec = (_splat(lane0), _splat(lane0 + 1))
    in_bufs = (in_buf0, in_buf1, in_buf2)
    out_bufs = (out_buf0, out_buf1, out_buf2)
    sems_in = (sem_in0, sem_in1, sem_in2)
    sems_out = (sem_out0, sem_out1, sem_out2)

    items = []
    for j in range(ROWS_PER_W):
        r = wid * ROWS_PER_W + j
        off = off_vec[j][0]
        a = off % 8
        base = pl.multiple_of(r * L_IN + off - a, 8)
        for k in range(N_CHUNK):
            sz = CH_LAST if k == N_CHUNK - 1 else CH
            items.append((base + k * CH, a,
                          pl.multiple_of(r * L_OUT + k * CH, 8), sz))

    copies_in = [
        pltpu.make_async_copy(
            w_hbm.at[pl.ds(src, sz + 8)],
            in_bufs[t % 3].at[pl.ds(0, sz + 8)], sems_in[t % 3])
        for t, (src, _, _, sz) in enumerate(items)
    ]
    copies_out = [
        pltpu.make_async_copy(
            out_bufs[t % 3].at[pl.ds(0, sz)],
            out_hbm.at[pl.ds(dst, sz)], sems_out[t % 3])
        for t, (_, _, dst, sz) in enumerate(items)
    ]

    copies_in[0].start()
    copies_in[1].start()
    for t, (_, a, _, sz) in enumerate(items):
        b = t % 3
        if t + 2 < N_ITEMS:
            copies_in[t + 2].start()
        copies_in[t].wait()
        if t >= 3:
            copies_out[t - 3].wait()

        @plsc.parallel_loop(0, sz // 16, unroll=8)
        def _shift(i, a=a, b=b):
            out_bufs[b][pl.ds(i * 16, 16)] = in_bufs[b][pl.ds(i * 16 + a, 16)]
        copies_out[t].start()
    copies_out[N_ITEMS - 3].wait()
    copies_out[N_ITEMS - 2].wait()
    copies_out[N_ITEMS - 1].wait()


@jax.jit
def kernel(wav, offsets):
    w = wav.reshape(2 * ROWS * L_IN)
    offs = offsets.reshape(ROWS // 16, 16)
    run = pl.kernel(
        _shift_body,
        out_type=jax.ShapeDtypeStruct((ROWS * L_OUT,), jnp.float32),
        mesh=plsc.VectorSubcoreMesh(core_axis_name="c", subcore_axis_name="s"),
        compiler_params=pltpu.CompilerParams(needs_layout_passes=False),
        scratch_types=[
            pltpu.VMEM((ROWS // 16, 16), jnp.int32),
            pltpu.VMEM((CH + 8,), jnp.float32),
            pltpu.VMEM((CH + 8,), jnp.float32),
            pltpu.VMEM((CH + 8,), jnp.float32),
            pltpu.VMEM((CH,), jnp.float32),
            pltpu.VMEM((CH,), jnp.float32),
            pltpu.VMEM((CH,), jnp.float32),
            pltpu.SemaphoreType.DMA,
            pltpu.SemaphoreType.DMA,
            pltpu.SemaphoreType.DMA,
            pltpu.SemaphoreType.DMA,
            pltpu.SemaphoreType.DMA,
            pltpu.SemaphoreType.DMA,
        ],
    )
    out = run(w, offs)
    return out.reshape(2, 32, 1, L_OUT)

# --- scband reference (transcript-rebuilt; emitter-appended) ---
"""Pipeline reference for scband-shift-45930380263659 (READ-ONLY COPY).

The authoritative reference and input builder live on the scoring server;
editing this copy changes nothing except your own understanding.
"""

import jax, jax.numpy as jnp
import numpy as np

SHIFT = 8192
SAME = False
SOURCES = 2
BATCH = 32
CHANNELS = 1
LENGTH_TOTAL = 160000


def setup_inputs(seed: int = 0) -> dict:
    key = jax.random.key(seed)
    k1, k2 = jax.random.split(key)
    # First dim of size 2 mimics the (wav, _) tuple unpacking in the torch forward:
    # `wav, _ = wav` on a tensor of shape [2, S, B, C, L] splits along dim 0.
    wav = jax.random.normal(k1, (2, SOURCES, BATCH, CHANNELS, LENGTH_TOTAL), dtype=jnp.float32)
    # Random offsets normally drawn inside forward via torch.randint; made an
    # explicit deterministic input here (int constant, not differentiated).
    offsets = jax.random.randint(
        k2, (1 if SAME else SOURCES, BATCH, 1, 1), 0, SHIFT, dtype=jnp.int32
    )
    return {"wav": wav, "offsets": offsets}


def reference(wav, offsets):
    w = wav[0]  # `wav, _ = wav`
    sources, batch, channels, L = w.shape
    length = L - SHIFT
    # offsets.expand(sources, -1, channels, -1)
    offs = jnp.broadcast_to(offsets, (sources, batch, channels, 1))
    indexes = jnp.arange(length, dtype=jnp.int32)
    idx = indexes[None, None, None, :] + offs  # [S, B, C, length]
    # torch.gather(w, 3, idx)
    out = jnp.take_along_axis(w, idx, axis=3)
    return out

if __name__ == "__main__":
    import jax
    _d = setup_inputs()
    print(jax.jit(kernel)(*tuple(_d.values())))

</pallas_src>

<mosaic_0001>
#map = affine_map<(d0, d1) -> (0)>
#map1 = affine_map<(d0, d1) -> (0, 0)>
module attributes {stable_mosaic.version = 14 : i64} {
  func.func @_shift_body(%arg0: i32, %arg1: i32, %arg2: memref<20480000xf32, #tpu.memory_space<hbm>>, %arg3: memref<4x16xi32, #tpu.memory_space<hbm>>, %arg4: memref<9715712xf32, #tpu.memory_space<hbm>>, %arg5: memref<4x16xi32, #tpu.memory_space<vmem>>, %arg6: memref<18984xf32, #tpu.memory_space<vmem>>, %arg7: memref<18984xf32, #tpu.memory_space<vmem>>, %arg8: memref<18984xf32, #tpu.memory_space<vmem>>, %arg9: memref<18976xf32, #tpu.memory_space<vmem>>, %arg10: memref<18976xf32, #tpu.memory_space<vmem>>, %arg11: memref<18976xf32, #tpu.memory_space<vmem>>, %arg12: memref<!tpu.dma_semaphore, #tpu.memory_space<semaphore_mem>>, %arg13: memref<!tpu.dma_semaphore, #tpu.memory_space<semaphore_mem>>, %arg14: memref<!tpu.dma_semaphore, #tpu.memory_space<semaphore_mem>>, %arg15: memref<!tpu.dma_semaphore, #tpu.memory_space<semaphore_mem>>, %arg16: memref<!tpu.dma_semaphore, #tpu.memory_space<semaphore_mem>>, %arg17: memref<!tpu.dma_semaphore, #tpu.memory_space<semaphore_mem>>) attributes {dimension_semantics = [#tpu.dimension_semantics<core_parallel>, #tpu.dimension_semantics<subcore_parallel>], iteration_bounds = array<i64: 2, 16>, scalar_prefetch = 0 : i64, scratch_operands = 13 : i64, tpu.core_type = #tpu.core_type<sc_vector_subcore>, window_params = [{transform_indices = #map}, {transform_indices = #map1}, {transform_indices = #map}]} {
    %mul3A = arith.constant 2 : i32
    %mul3A_0 = arith.muli %arg1, %mul3A : i32
    %add3A = arith.addi %mul3A_0, %arg0 : i32
    "tpu.region"() ({
      %run_scoped3A = tpu.sem_alloc : memref<!tpu.dma_semaphore, #tpu.memory_space<semaphore_mem>>
      tpu.enqueue_dma source(%arg3 : memref<4x16xi32, #tpu.memory_space<hbm>>) target(%arg5 : memref<4x16xi32, #tpu.memory_space<vmem>>) target_semaphore(%run_scoped3A : memref<!tpu.dma_semaphore, #tpu.memory_space<semaphore_mem>>)
      tpu.wait_dma2 semaphore(%run_scoped3A : memref<!tpu.dma_semaphore, #tpu.memory_space<semaphore_mem>>) src(%arg3 : memref<4x16xi32, #tpu.memory_space<hbm>>) dst(%arg5 : memref<4x16xi32, #tpu.memory_space<vmem>>)
      tpu.yield
    }) : () -> ()
    %mul3A_1 = arith.constant 2 : i32
    %mul3A_2 = arith.muli %add3A, %mul3A_1 : i32
    %jit3A = arith.constant 16 : i32
    %div3A = arith.divsi %mul3A_2, %jit3A : i32
    %sign3A = arith.constant 0 : i32
    %sign3A_3 = arith.cmpi sgt, %mul3A_2, %sign3A : i32
    %sign3A_4 = arith.extui %sign3A_3 : i1 to i32
    %sign3A_5 = arith.constant 0 : i32
    %sign3A_6 = arith.cmpi slt, %mul3A_2, %sign3A_5 : i32
    %sign3A_7 = arith.extui %sign3A_6 : i1 to i32
    %sign3A_8 = arith.subi %sign3A_4, %sign3A_7 : i32
    %sign3A_9 = arith.constant 0 : i32
    %sign3A_10 = arith.cmpi sgt, %jit3A, %sign3A_9 : i32
    %sign3A_11 = arith.extui %sign3A_10 : i1 to i32
    %sign3A_12 = arith.constant 0 : i32
    %sign3A_13 = arith.cmpi slt, %jit3A, %sign3A_12 : i32
    %sign3A_14 = arith.extui %sign3A_13 : i1 to i32
    %sign3A_15 = arith.subi %sign3A_11, %sign3A_14 : i32
    %ne3A = arith.cmpi ne, %sign3A_8, %sign3A_15 : i32
    %rem3A = arith.remsi %mul3A_2, %jit3A : i32
    %ne3A_16 = arith.constant 0 : i32
    %ne3A_17 = arith.cmpi ne, %rem3A, %ne3A_16 : i32
    %and3A = arith.andi %ne3A, %ne3A_17 : i1
    %sub3A = arith.constant 1 : i32
    %sub3A_18 = arith.subi %div3A, %sub3A : i32
    %select_n3A = arith.select %and3A, %sub3A_18, %div3A : i32
    %get3A = arith.index_cast %select_n3A : i32 to index
    %get3A_19 = arith.constant 0 : index
    %get3A_20 = tpu.vector_load %arg5[%get3A, %get3A_19] {strides = array<i32>} : memref<4x16xi32, #tpu.memory_space<vmem>>, vector<16xi32>,
    %broadcast_in_dim3A = arith.constant 0 : i32
    %broadcast_in_dim3A_21 = vector.broadcast %broadcast_in_dim3A : i32 to vector<16xi32>
    %jit3A_22 = arith.constant 16 : i32
    %eq3A = arith.constant 0 : i32
    %eq3A_23 = arith.cmpi eq, %jit3A_22, %eq3A : i32
    %jit3A_24 = arith.constant 1 : i32
    %select_n3A_25 = arith.select %eq3A_23, %jit3A_24, %jit3A_22 : i32
    %rem3A_26 = arith.remsi %mul3A_2, %select_n3A_25 : i32
    %ne3A_27 = arith.constant 0 : i32
    %ne3A_28 = arith.cmpi ne, %rem3A_26, %ne3A_27 : i32
    %lt3A = arith.constant 0 : i32
    %lt3A_29 = arith.cmpi slt, %rem3A_26, %lt3A : i32
    %lt3A_30 = arith.constant 0 : i32
    %lt3A_31 = arith.cmpi slt, %select_n3A_25, %lt3A_30 : i32
    %ne3A_32 = arith.xori %lt3A_29, %lt3A_31 : i1
    %and3A_33 = arith.andi %ne3A_32, %ne3A_28 : i1
    %add3A_34 = arith.addi %rem3A_26, %select_n3A_25 : i32
    %select_n3A_35 = arith.select %and3A_33, %add3A_34, %rem3A_26 : i32
    %add3A_36 = vector.broadcast %select_n3A_35 : i32 to vector<16xi32>
    %add3A_37 = arith.addi %broadcast_in_dim3A_21, %add3A_36 : vector<16xi32>
    %broadcast_in_dim3A_38 = vector.shape_cast %add3A_37 : vector<16xi32> to vector<16x1xi32>
    %gather3A = vector.shape_cast %broadcast_in_dim3A_38 : vector<16x1xi32> to vector<16xi32>
    %gather3A_39 = tpu.dynamic_gather %get3A_20[%gather3A] in [0] : vector<16xi32>, vector<16xi32> -> vector<16xi32>
    %add3A_40 = arith.constant 1 : i32
    %add3A_41 = vector.broadcast %add3A_40 : i32 to vector<16xi32>
    %add3A_42 = arith.addi %add3A_37, %add3A_41 : vector<16xi32>
    %broadcast_in_dim3A_43 = vector.shape_cast %add3A_42 : vector<16xi32> to vector<16x1xi32>
    %gather3A_44 = vector.shape_cast %broadcast_in_dim3A_43 : vector<16x1xi32> to vector<16xi32>
    %gather3A_45 = tpu.dynamic_gather %get3A_20[%gather3A_44] in [0] : vector<16xi32>, vector<16xi32> -> vector<16xi32>
    %mul3A_46 = arith.constant 2 : i32
    %mul3A_47 = arith.muli %add3A, %mul3A_46 : i32
    %add3A_48 = arith.constant 0 : i32
    %add3A_49 = arith.addi %mul3A_47, %add3A_48 : i32
    %slice3A = vector.extract_strided_slice %gather3A_39 {offsets = [0], sizes = [1], strides = [1]} : vector<16xi32> to vector<1xi32>
    %squeeze3A = vector.extract %slice3A[0] : i32 from vector<1xi32>
    %jit3A_50 = arith.constant 8 : i32
    %eq3A_51 = arith.constant 0 : i32
    %eq3A_52 = arith.cmpi eq, %jit3A_50, %eq3A_51 : i32
    %jit3A_53 = arith.constant 1 : i32
    %select_n3A_54 = arith.select %eq3A_52, %jit3A_53, %jit3A_50 : i32
    %rem3A_55 = arith.remsi %squeeze3A, %select_n3A_54 : i32
    %ne3A_56 = arith.constant 0 : i32
    %ne3A_57 = arith.cmpi ne, %rem3A_55, %ne3A_56 : i32
    %lt3A_58 = arith.constant 0 : i32
    %lt3A_59 = arith.cmpi slt, %rem3A_55, %lt3A_58 : i32
    %lt3A_60 = arith.constant 0 : i32
    %lt3A_61 = arith.cmpi slt, %select_n3A_54, %lt3A_60 : i32
    %ne3A_62 = arith.xori %lt3A_59, %lt3A_61 : i1
    %and3A_63 = arith.andi %ne3A_62, %ne3A_57 : i1
    %add3A_64 = arith.addi %rem3A_55, %select_n3A_54 : i32
    %select_n3A_65 = arith.select %and3A_63, %add3A_64, %rem3A_55 : i32
    %mul3A_66 = arith.constant 160000 : i32
    %mul3A_67 = arith.muli %add3A_49, %mul3A_66 : i32
    %add3A_68 = arith.addi %mul3A_67, %squeeze3A : i32
    %sub3A_69 = arith.subi %add3A_68, %select_n3A_65 : i32
    %multiple_of3A = tpu.assume_multiple %sub3A_69, 8 : i32
    %add3A_70 = arith.constant 0 : i32
    %add3A_71 = arith.addi %multiple_of3A, %add3A_70 : i32
    %mul3A_72 = arith.constant 151808 : i32
    %mul3A_73 = arith.muli %add3A_49, %mul3A_72 : i32
    %add3A_74 = arith.constant 0 : i32
    %add3A_75 = arith.addi %mul3A_73, %add3A_74 : i32
    %multiple_of3A_76 = tpu.assume_multiple %add3A_75, 8 : i32
    %add3A_77 = arith.constant 18976 : i32
    %add3A_78 = arith.addi %multiple_of3A, %add3A_77 : i32
    %mul3A_79 = arith.constant 151808 : i32
    %mul3A_80 = arith.muli %add3A_49, %mul3A_79 : i32
    %add3A_81 = arith.constant 18976 : i32
    %add3A_82 = arith.addi %mul3A_80, %add3A_81 : i32
    %multiple_of3A_83 = tpu.assume_multiple %add3A_82, 8 : i32
    %add3A_84 = arith.constant 37952 : i32
    %add3A_85 = arith.addi %multiple_of3A, %add3A_84 : i32
    %mul3A_86 = arith.constant 151808 : i32
    %mul3A_87 = arith.muli %add3A_49, %mul3A_86 : i32
    %add3A_88 = arith.constant 37952 : i32
    %add3A_89 = arith.addi %mul3A_87, %add3A_88 : i32
    %multiple_of3A_90 = tpu.assume_multiple %add3A_89, 8 : i32
    %add3A_91 = arith.constant 56928 : i32
    %add3A_92 = arith.addi %multiple_of3A, %add3A_91 : i32
    %mul3A_93 = arith.constant 151808 : i32
    %mul3A_94 = arith.muli %add3A_49, %mul3A_93 : i32
    %add3A_95 = arith.constant 56928 : i32
    %add3A_96 = arith.addi %mul3A_94, %add3A_95 : i32
    %multiple_of3A_97 = tpu.assume_multiple %add3A_96, 8 : i32
    %add3A_98 = arith.constant 75904 : i32
    %add3A_99 = arith.addi %multiple_of3A, %add3A_98 : i32
    %mul3A_100 = arith.constant 151808 : i32
    %mul3A_101 = arith.muli %add3A_49, %mul3A_100 : i32
    %add3A_102 = arith.constant 75904 : i32
    %add3A_103 = arith.addi %mul3A_101, %add3A_102 : i32
    %multiple_of3A_104 = tpu.assume_multiple %add3A_103, 8 : i32
    %add3A_105 = arith.constant 94880 : i32
    %add3A_106 = arith.addi %multiple_of3A, %add3A_105 : i32
    %mul3A_107 = arith.constant 151808 : i32
    %mul3A_108 = arith.muli %add3A_49, %mul3A_107 : i32
    %add3A_109 = arith.constant 94880 : i32
    %add3A_110 = arith.addi %mul3A_108, %add3A_109 : i32
    %multiple_of3A_111 = tpu.assume_multiple %add3A_110, 8 : i32
    %add3A_112 = arith.constant 113856 : i32
    %add3A_113 = arith.addi %multiple_of3A, %add3A_112 : i32
    %mul3A_114 = arith.constant 151808 : i32
    %mul3A_115 = arith.muli %add3A_49, %mul3A_114 : i32
    %add3A_116 = arith.constant 113856 : i32
    %add3A_117 = arith.addi %mul3A_115, %add3A_116 : i32
    %multiple_of3A_118 = tpu.assume_multiple %add3A_117, 8 : i32
    %add3A_119 = arith.constant 132832 : i32
    %add3A_120 = arith.addi %multiple_of3A, %add3A_119 : i32
    %mul3A_121 = arith.constant 151808 : i32
    %mul3A_122 = arith.muli %add3A_49, %mul3A_121 : i32
    %add3A_123 = arith.constant 132832 : i32
    %add3A_124 = arith.addi %mul3A_122, %add3A_123 : i32
    %multiple_of3A_125 = tpu.assume_multiple %add3A_124, 8 : i32
    %mul3A_126 = arith.constant 2 : i32
    %mul3A_127 = arith.muli %add3A, %mul3A_126 : i32
    %add3A_128 = arith.constant 1 : i32
    %add3A_129 = arith.addi %mul3A_127, %add3A_128 : i32
    %slice3A_130 = vector.extract_strided_slice %gather3A_45 {offsets = [0], sizes = [1], strides = [1]} : vector<16xi32> to vector<1xi32>
    %squeeze3A_131 = vector.extract %slice3A_130[0] : i32 from vector<1xi32>
    %jit3A_132 = arith.constant 8 : i32
    %eq3A_133 = arith.constant 0 : i32
    %eq3A_134 = arith.cmpi eq, %jit3A_132, %eq3A_133 : i32
    %jit3A_135 = arith.constant 1 : i32
    %select_n3A_136 = arith.select %eq3A_134, %jit3A_135, %jit3A_132 : i32
    %rem3A_137 = arith.remsi %squeeze3A_131, %select_n3A_136 : i32
    %ne3A_138 = arith.constant 0 : i32
    %ne3A_139 = arith.cmpi ne, %rem3A_137, %ne3A_138 : i32
    %lt3A_140 = arith.constant 0 : i32
    %lt3A_141 = arith.cmpi slt, %rem3A_137, %lt3A_140 : i32
    %lt3A_142 = arith.constant 0 : i32
    %lt3A_143 = arith.cmpi slt, %select_n3A_136, %lt3A_142 : i32
    %ne3A_144 = arith.xori %lt3A_141, %lt3A_143 : i1
    %and3A_145 = arith.andi %ne3A_144, %ne3A_139 : i1
    %add3A_146 = arith.addi %rem3A_137, %select_n3A_136 : i32
    %select_n3A_147 = arith.select %and3A_145, %add3A_146, %rem3A_137 : i32
    %mul3A_148 = arith.constant 160000 : i32
    %mul3A_149 = arith.muli %add3A_129, %mul3A_148 : i32
    %add3A_150 = arith.addi %mul3A_149, %squeeze3A_131 : i32
    %sub3A_151 = arith.subi %add3A_150, %select_n3A_147 : i32
    %multiple_of3A_152 = tpu.assume_multiple %sub3A_151, 8 : i32
    %add3A_153 = arith.constant 0 : i32
    %add3A_154 = arith.addi %multiple_of3A_152, %add3A_153 : i32
    %mul3A_155 = arith.constant 151808 : i32
    %mul3A_156 = arith.muli %add3A_129, %mul3A_155 : i32
    %add3A_157 = arith.constant 0 : i32
    %add3A_158 = arith.addi %mul3A_156, %add3A_157 : i32
    %multiple_of3A_159 = tpu.assume_multiple %add3A_158, 8 : i32
    %add3A_160 = arith.constant 18976 : i32
    %add3A_161 = arith.addi %multiple_of3A_152, %add3A_160 : i32
    %mul3A_162 = arith.constant 151808 : i32
    %mul3A_163 = arith.muli %add3A_129, %mul3A_162 : i32
    %add3A_164 = arith.constant 18976 : i32
    %add3A_165 = arith.addi %mul3A_163, %add3A_164 : i32
    %multiple_of3A_166 = tpu.assume_multiple %add3A_165, 8 : i32
    %add3A_167 = arith.constant 37952 : i32
    %add3A_168 = arith.addi %multiple_of3A_152, %add3A_167 : i32
    %mul3A_169 = arith.constant 151808 : i32
    %mul3A_170 = arith.muli %add3A_129, %mul3A_169 : i32
    %add3A_171 = arith.constant 37952 : i32
    %add3A_172 = arith.addi %mul3A_170, %add3A_171 : i32
    %multiple_of3A_173 = tpu.assume_multiple %add3A_172, 8 : i32
    %add3A_174 = arith.constant 56928 : i32
    %add3A_175 = arith.addi %multiple_of3A_152, %add3A_174 : i32
    %mul3A_176 = arith.constant 151808 : i32
    %mul3A_177 = arith.muli %add3A_129, %mul3A_176 : i32
    %add3A_178 = arith.constant 56928 : i32
    %add3A_179 = arith.addi %mul3A_177, %add3A_178 : i32
    %multiple_of3A_180 = tpu.assume_multiple %add3A_179, 8 : i32
    %add3A_181 = arith.constant 75904 : i32
    %add3A_182 = arith.addi %multiple_of3A_152, %add3A_181 : i32
    %mul3A_183 = arith.constant 151808 : i32
    %mul3A_184 = arith.muli %add3A_129, %mul3A_183 : i32
    %add3A_185 = arith.constant 75904 : i32
    %add3A_186 = arith.addi %mul3A_184, %add3A_185 : i32
    %multiple_of3A_187 = tpu.assume_multiple %add3A_186, 8 : i32
    %add3A_188 = arith.constant 94880 : i32
    %add3A_189 = arith.addi %multiple_of3A_152, %add3A_188 : i32
    %mul3A_190 = arith.constant 151808 : i32
    %mul3A_191 = arith.muli %add3A_129, %mul3A_190 : i32
    %add3A_192 = arith.constant 94880 : i32
    %add3A_193 = arith.addi %mul3A_191, %add3A_192 : i32
    %multiple_of3A_194 = tpu.assume_multiple %add3A_193, 8 : i32
    %add3A_195 = arith.constant 113856 : i32
    %add3A_196 = arith.addi %multiple_of3A_152, %add3A_195 : i32
    %mul3A_197 = arith.constant 151808 : i32
    %mul3A_198 = arith.muli %add3A_129, %mul3A_197 : i32
    %add3A_199 = arith.constant 113856 : i32
    %add3A_200 = arith.addi %mul3A_198, %add3A_199 : i32
    %multiple_of3A_201 = tpu.assume_multiple %add3A_200, 8 : i32
    %add3A_202 = arith.constant 132832 : i32
    %add3A_203 = arith.addi %multiple_of3A_152, %add3A_202 : i32
    %mul3A_204 = arith.constant 151808 : i32
    %mul3A_205 = arith.muli %add3A_129, %mul3A_204 : i32
    %add3A_206 = arith.constant 132832 : i32
    %add3A_207 = arith.addi %mul3A_205, %add3A_206 : i32
    %multiple_of3A_208 = tpu.assume_multiple %add3A_207, 8 : i32
    %dma_start3A = arith.constant 0 : i32
    %dma_start3A_209 = tpu.memref_slice %arg6[%dma_start3A] : memref<18984xf32, #tpu.memory_space<vmem>> -> memref<18984xf32, #tpu.memory_space<vmem>>
    %dma_start3A_210 = tpu.memref_slice %arg2[%add3A_71] : memref<20480000xf32, #tpu.memory_space<hbm>> -> memref<18984xf32, #tpu.memory_space<hbm>>
    %dma_start3A_211 = arith.constant 0 : i32
    %dma_start3A_212 = tpu.memref_slice %arg6[%dma_start3A_211] : memref<18984xf32, #tpu.memory_space<vmem>> -> memref<18984xf32, #tpu.memory_space<vmem>>
    %dma_start3A_213 = tpu.memref_slice %arg2[%add3A_71] : memref<20480000xf32, #tpu.memory_space<hbm>> -> memref<18984xf32, #tpu.memory_space<hbm>>
    tpu.enqueue_dma source(%dma_start3A_213 : memref<18984xf32, #tpu.memory_space<hbm>>) target(%dma_start3A_212 : memref<18984xf32, #tpu.memory_space<vmem>>) target_semaphore(%arg12 : memref<!tpu.dma_semaphore, #tpu.memory_space<semaphore_mem>>)
    %dma_start3A_214 = arith.constant 0 : i32
    %dma_start3A_215 = tpu.memref_slice %arg7[%dma_start3A_214] : memref<18984xf32, #tpu.memory_space<vmem>> -> memref<18984xf32, #tpu.memory_space<vmem>>
    %dma_start3A_216 = tpu.memref_slice %arg2[%add3A_78] : memref<20480000xf32, #tpu.memory_space<hbm>> -> memref<18984xf32, #tpu.memory_space<hbm>>
    %dma_start3A_217 = arith.constant 0 : i32
    %dma_start3A_218 = tpu.memref_slice %arg7[%dma_start3A_217] : memref<18984xf32, #tpu.memory_space<vmem>> -> memref<18984xf32, #tpu.memory_space<vmem>>
    %dma_start3A_219 = tpu.memref_slice %arg2[%add3A_78] : memref<20480000xf32, #tpu.memory_space<hbm>> -> memref<18984xf32, #tpu.memory_space<hbm>>
    tpu.enqueue_dma source(%dma_start3A_219 : memref<18984xf32, #tpu.memory_space<hbm>>) target(%dma_start3A_218 : memref<18984xf32, #tpu.memory_space<vmem>>) target_semaphore(%arg13 : memref<!tpu.dma_semaphore, #tpu.memory_space<semaphore_mem>>)
    %dma_start3A_220 = arith.constant 0 : i32
    %dma_start3A_221 = tpu.memref_slice %arg8[%dma_start3A_220] : memref<18984xf32, #tpu.memory_space<vmem>> -> memref<18984xf32, #tpu.memory_space<vmem>>
    %dma_start3A_222 = tpu.memref_slice %arg2[%add3A_85] : memref<20480000xf32, #tpu.memory_space<hbm>> -> memref<18984xf32, #tpu.memory_space<hbm>>
    %dma_start3A_223 = arith.constant 0 : i32
    %dma_start3A_224 = tpu.memref_slice %arg8[%dma_start3A_223] : memref<18984xf32, #tpu.memory_space<vmem>> -> memref<18984xf32, #tpu.memory_space<vmem>>
    %dma_start3A_225 = tpu.memref_slice %arg2[%add3A_85] : memref<20480000xf32, #tpu.memory_space<hbm>> -> memref<18984xf32, #tpu.memory_space<hbm>>
    tpu.enqueue_dma source(%dma_start3A_225 : memref<18984xf32, #tpu.memory_space<hbm>>) target(%dma_start3A_224 : memref<18984xf32, #tpu.memory_space<vmem>>) target_semaphore(%arg14 : memref<!tpu.dma_semaphore, #tpu.memory_space<semaphore_mem>>)
    %dma_wait3A = arith.constant 0 : i32
    %dma_wait3A_226 = tpu.memref_slice %arg6[%dma_wait3A] : memref<18984xf32, #tpu.memory_space<vmem>> -> memref<18984xf32, #tpu.memory_space<vmem>>
    %dma_wait3A_227 = tpu.memref_slice %arg2[%add3A_71] : memref<20480000xf32, #tpu.memory_space<hbm>> -> memref<18984xf32, #tpu.memory_space<hbm>>
    %dma_wait3A_228 = arith.constant 0 : i32
    %dma_wait3A_229 = tpu.memref_slice %arg6[%dma_wait3A_228] : memref<18984xf32, #tpu.memory_space<vmem>> -> memref<18984xf32, #tpu.memory_space<vmem>>
    %dma_wait3A_230 = tpu.memref_slice %arg2[%add3A_71] : memref<20480000xf32, #tpu.memory_space<hbm>> -> memref<18984xf32, #tpu.memory_space<hbm>>
    tpu.wait_dma2 semaphore(%arg12 : memref<!tpu.dma_semaphore, #tpu.memory_space<semaphore_mem>>) src(%dma_wait3A_230 : memref<18984xf32, #tpu.memory_space<hbm>>) dst(%dma_wait3A_229 : memref<18984xf32, #tpu.memory_space<vmem>>)
    %parallel_loop3A = arith.constant 0 : i32
    %parallel_loop3A_231 = arith.constant 1186 : i32
    %parallel_loop3A_232 = arith.constant 1 : i32
    scf.for %parallel_loop3A_638 = %parallel_loop3A to %parallel_loop3A_231 step %parallel_loop3A_232  : i32 {
      %parallel_loop3A_639 = arith.constant 16 : i32
      %parallel_loop3A_640 = arith.muli %parallel_loop3A_638, %parallel_loop3A_639 : i32
      %parallel_loop3A_641 = arith.addi %parallel_loop3A_640, %select_n3A_65 : i32
      %parallel_loop3A_642 = arith.index_cast %parallel_loop3A_641 : i32 to index
      %parallel_loop3A_643 = tpu.vector_load %arg6[%parallel_loop3A_642] {strides = array<i32>} : memref<18984xf32, #tpu.memory_space<vmem>>, vector<16xf32>,
      %parallel_loop3A_644 = arith.constant 16 : i32
      %parallel_loop3A_645 = arith.muli %parallel_loop3A_638, %parallel_loop3A_644 : i32
      %parallel_loop3A_646 = arith.index_cast %parallel_loop3A_645 : i32 to index
      %parallel_loop3A_647 = tpu.vector_load %arg9[%parallel_loop3A_646] {strides = array<i32>} : memref<18976xf32, #tpu.memory_space<vmem>>, vector<16xf32>,
      tpu.vector_store %arg9[%parallel_loop3A_646], %parallel_loop3A_643 {strides = array<i32>} : memref<18976xf32, #tpu.memory_space<vmem>>, vector<16xf32>,
    } {sc.loop_unroll_factor = 8 : i64, sc.parallel_access}
    %dma_start3A_233 = arith.constant 0 : i32
    %dma_start3A_234 = tpu.memref_slice %arg9[%dma_start3A_233] : memref<18976xf32, #tpu.memory_space<vmem>> -> memref<18976xf32, #tpu.memory_space<vmem>>
    %dma_start3A_235 = tpu.memref_slice %arg4[%multiple_of3A_76] : memref<9715712xf32, #tpu.memory_space<hbm>> -> memref<18976xf32, #tpu.memory_space<hbm>>
    %dma_start3A_236 = tpu.memref_slice %arg4[%multiple_of3A_76] : memref<9715712xf32, #tpu.memory_space<hbm>> -> memref<18976xf32, #tpu.memory_space<hbm>>
    %dma_start3A_237 = arith.constant 0 : i32
    %dma_start3A_238 = tpu.memref_slice %arg9[%dma_start3A_237] : memref<18976xf32, #tpu.memory_space<vmem>> -> memref<18976xf32, #tpu.memory_space<vmem>>
    tpu.enqueue_dma source(%dma_start3A_238 : memref<18976xf32, #tpu.memory_space<vmem>>) target(%dma_start3A_236 : memref<18976xf32, #tpu.memory_space<hbm>>) target_semaphore(%arg15 : memref<!tpu.dma_semaphore, #tpu.memory_space<semaphore_mem>>)
    %dma_start3A_239 = arith.constant 0 : i32
    %dma_start3A_240 = tpu.memref_slice %arg6[%dma_start3A_239] : memref<18984xf32, #tpu.memory_space<vmem>> -> memref<18984xf32, #tpu.memory_space<vmem>>
    %dma_start3A_241 = tpu.memref_slice %arg2[%add3A_92] : memref<20480000xf32, #tpu.memory_space<hbm>> -> memref<18984xf32, #tpu.memory_space<hbm>>
    %dma_start3A_242 = arith.constant 0 : i32
    %dma_start3A_243 = tpu.memref_slice %arg6[%dma_start3A_242] : memref<18984xf32, #tpu.memory_space<vmem>> -> memref<18984xf32, #tpu.memory_space<vmem>>
    %dma_start3A_244 = tpu.memref_slice %arg2[%add3A_92] : memref<20480000xf32, #tpu.memory_space<hbm>> -> memref<18984xf32, #tpu.memory_space<hbm>>
    tpu.enqueue_dma source(%dma_start3A_244 : memref<18984xf32, #tpu.memory_space<hbm>>) target(%dma_start3A_243 : memref<18984xf32, #tpu.memory_space<vmem>>) target_semaphore(%arg12 : memref<!tpu.dma_semaphore, #tpu.memory_space<semaphore_mem>>)
    %dma_wait3A_245 = arith.constant 0 : i32
    %dma_wait3A_246 = tpu.memref_slice %arg7[%dma_wait3A_245] : memref<18984xf32, #tpu.memory_space<vmem>> -> memref<18984xf32, #tpu.memory_space<vmem>>
    %dma_wait3A_247 = tpu.memref_slice %arg2[%add3A_78] : memref<20480000xf32, #tpu.memory_space<hbm>> -> memref<18984xf32, #tpu.memory_space<hbm>>
    %dma_wait3A_248 = arith.constant 0 : i32
    %dma_wait3A_249 = tpu.memref_slice %arg7[%dma_wait3A_248] : memref<18984xf32, #tpu.memory_space<vmem>> -> memref<18984xf32, #tpu.memory_space<vmem>>
    %dma_wait3A_250 = tpu.memref_slice %arg2[%add3A_78] : memref<20480000xf32, #tpu.memory_space<hbm>> -> memref<18984xf32, #tpu.memory_space<hbm>>
    tpu.wait_dma2 semaphore(%arg13 : memref<!tpu.dma_semaphore, #tpu.memory_space<semaphore_mem>>) src(%dma_wait3A_250 : memref<18984xf32, #tpu.memory_space<hbm>>) dst(%dma_wait3A_249 : memref<18984xf32, #tpu.memory_space<vmem>>)
    %parallel_loop3A_251 = arith.constant 0 : i32
    %parallel_loop3A_252 = arith.constant 1186 : i32
    %parallel_loop3A_253 = arith.constant 1 : i32
    scf.for %parallel_loop3A_638 = %parallel_loop3A_251 to %parallel_loop3A_252 step %parallel_loop3A_253  : i32 {
      %parallel_loop3A_639 = arith.constant 16 : i32
      %parallel_loop3A_640 = arith.muli %parallel_loop3A_638, %parallel_loop3A_639 : i32
      %parallel_loop3A_641 = arith.addi %parallel_loop3A_640, %select_n3A_65 : i32
      %parallel_loop3A_642 = arith.index_cast %parallel_loop3A_641 : i32 to index
      %parallel_loop3A_643 = tpu.vector_load %arg7[%parallel_loop3A_642] {strides = array<i32>} : memref<18984xf32, #tpu.memory_space<vmem>>, vector<16xf32>,
      %parallel_loop3A_644 = arith.constant 16 : i32
      %parallel_loop3A_645 = arith.muli %parallel_loop3A_638, %parallel_loop3A_644 : i32
      %parallel_loop3A_646 = arith.index_cast %parallel_loop3A_645 : i32 to index
      %parallel_loop3A_647 = tpu.vector_load %arg10[%parallel_loop3A_646] {strides = array<i32>} : memref<18976xf32, #tpu.memory_space<vmem>>, vector<16xf32>,
      tpu.vector_store %arg10[%parallel_loop3A_646], %parallel_loop3A_643 {strides = array<i32>} : memref<18976xf32, #tpu.memory_space<vmem>>, vector<16xf32>,
    } {sc.loop_unroll_factor = 8 : i64, sc.parallel_access}
    %dma_start3A_254 = arith.constant 0 : i32
    %dma_start3A_255 = tpu.memref_slice %arg10[%dma_start3A_254] : memref<18976xf32, #tpu.memory_space<vmem>> -> memref<18976xf32, #tpu.memory_space<vmem>>
    %dma_start3A_256 = tpu.memref_slice %arg4[%multiple_of3A_83] : memref<9715712xf32, #tpu.memory_space<hbm>> -> memref<18976xf32, #tpu.memory_space<hbm>>
    %dma_start3A_257 = tpu.memref_slice %arg4[%multiple_of3A_83] : memref<9715712xf32, #tpu.memory_space<hbm>> -> memref<18976xf32, #tpu.memory_space<hbm>>
    %dma_start3A_258 = arith.constant 0 : i32
    %dma_start3A_259 = tpu.memref_slice %arg10[%dma_start3A_258] : memref<18976xf32, #tpu.memory_space<vmem>> -> memref<18976xf32, #tpu.memory_space<vmem>>
    tpu.enqueue_dma source(%dma_start3A_259 : memref<18976xf32, #tpu.memory_space<vmem>>) target(%dma_start3A_257 : memref<18976xf32, #tpu.memory_space<hbm>>) target_semaphore(%arg16 : memref<!tpu.dma_semaphore, #tpu.memory_space<semaphore_mem>>)
    %dma_start3A_260 = arith.constant 0 : i32
    %dma_start3A_261 = tpu.memref_slice %arg7[%dma_start3A_260] : memref<18984xf32, #tpu.memory_space<vmem>> -> memref<18984xf32, #tpu.memory_space<vmem>>
    %dma_start3A_262 = tpu.memref_slice %arg2[%add3A_99] : memref<20480000xf32, #tpu.memory_space<hbm>> -> memref<18984xf32, #tpu.memory_space<hbm>>
    %dma_start3A_263 = arith.constant 0 : i32
    %dma_start3A_264 = tpu.memref_slice %arg7[%dma_start3A_263] : memref<18984xf32, #tpu.memory_space<vmem>> -> memref<18984xf32, #tpu.memory_space<vmem>>
    %dma_start3A_265 = tpu.memref_slice %arg2[%add3A_99] : memref<20480000xf32, #tpu.memory_space<hbm>> -> memref<18984xf32, #tpu.memory_space<hbm>>
    tpu.enqueue_dma source(%dma_start3A_265 : memref<18984xf32, #tpu.memory_space<hbm>>) target(%dma_start3A_264 : memref<18984xf32, #tpu.memory_space<vmem>>) target_semaphore(%arg13 : memref<!tpu.dma_semaphore, #tpu.memory_space<semaphore_mem>>)
    %dma_wait3A_266 = arith.constant 0 : i32
    %dma_wait3A_267 = tpu.memref_slice %arg8[%dma_wait3A_266] : memref<18984xf32, #tpu.memory_space<vmem>> -> memref<18984xf32, #tpu.memory_space<vmem>>
    %dma_wait3A_268 = tpu.memref_slice %arg2[%add3A_85] : memref<20480000xf32, #tpu.memory_space<hbm>> -> memref<18984xf32, #tpu.memory_space<hbm>>
    %dma_wait3A_269 = arith.constant 0 : i32
    %dma_wait3A_270 = tpu.memref_slice %arg8[%dma_wait3A_269] : memref<18984xf32, #tpu.memory_space<vmem>> -> memref<18984xf32, #tpu.memory_space<vmem>>
    %dma_wait3A_271 = tpu.memref_slice %arg2[%add3A_85] : memref<20480000xf32, #tpu.memory_space<hbm>> -> memref<18984xf32, #tpu.memory_space<hbm>>
    tpu.wait_dma2 semaphore(%arg14 : memref<!tpu.dma_semaphore, #tpu.memory_space<semaphore_mem>>) src(%dma_wait3A_271 : memref<18984xf32, #tpu.memory_space<hbm>>) dst(%dma_wait3A_270 : memref<18984xf32, #tpu.memory_space<vmem>>)
    %parallel_loop3A_272 = arith.constant 0 : i32
    %parallel_loop3A_273 = arith.constant 1186 : i32
    %parallel_loop3A_274 = arith.constant 1 : i32
    scf.for %parallel_loop3A_638 = %parallel_loop3A_272 to %parallel_loop3A_273 step %parallel_loop3A_274  : i32 {
      %parallel_loop3A_639 = arith.constant 16 : i32
      %parallel_loop3A_640 = arith.muli %parallel_loop3A_638, %parallel_loop3A_639 : i32
      %parallel_loop3A_641 = arith.addi %parallel_loop3A_640, %select_n3A_65 : i32
      %parallel_loop3A_642 = arith.index_cast %parallel_loop3A_641 : i32 to index
      %parallel_loop3A_643 = tpu.vector_load %arg8[%parallel_loop3A_642] {strides = array<i32>} : memref<18984xf32, #tpu.memory_space<vmem>>, vector<16xf32>,
      %parallel_loop3A_644 = arith.constant 16 : i32
      %parallel_loop3A_645 = arith.muli %parallel_loop3A_638, %parallel_loop3A_644 : i32
      %parallel_loop3A_646 = arith.index_cast %parallel_loop3A_645 : i32 to index
      %parallel_loop3A_647 = tpu.vector_load %arg11[%parallel_loop3A_646] {strides = array<i32>} : memref<18976xf32, #tpu.memory_space<vmem>>, vector<16xf32>,
      tpu.vector_store %arg11[%parallel_loop3A_646], %parallel_loop3A_643 {strides = array<i32>} : memref<18976xf32, #tpu.memory_space<vmem>>, vector<16xf32>,
    } {sc.loop_unroll_factor = 8 : i64, sc.parallel_access}
    %dma_start3A_275 = arith.constant 0 : i32
    %dma_start3A_276 = tpu.memref_slice %arg11[%dma_start3A_275] : memref<18976xf32, #tpu.memory_space<vmem>> -> memref<18976xf32, #tpu.memory_space<vmem>>
    %dma_start3A_277 = tpu.memref_slice %arg4[%multiple_of3A_90] : memref<9715712xf32, #tpu.memory_space<hbm>> -> memref<18976xf32, #tpu.memory_space<hbm>>
    %dma_start3A_278 = tpu.memref_slice %arg4[%multiple_of3A_90] : memref<9715712xf32, #tpu.memory_space<hbm>> -> memref<18976xf32, #tpu.memory_space<hbm>>
    %dma_start3A_279 = arith.constant 0 : i32
    %dma_start3A_280 = tpu.memref_slice %arg11[%dma_start3A_279] : memref<18976xf32, #tpu.memory_space<vmem>> -> memref<18976xf32, #tpu.memory_space<vmem>>
    tpu.enqueue_dma source(%dma_start3A_280 : memref<18976xf32, #tpu.memory_space<vmem>>) target(%dma_start3A_278 : memref<18976xf32, #tpu.memory_space<hbm>>) target_semaphore(%arg17 : memref<!tpu.dma_semaphore, #tpu.memory_space<semaphore_mem>>)
    %dma_start3A_281 = arith.constant 0 : i32
    %dma_start3A_282 = tpu.memref_slice %arg8[%dma_start3A_281] : memref<18984xf32, #tpu.memory_space<vmem>> -> memref<18984xf32, #tpu.memory_space<vmem>>
    %dma_start3A_283 = tpu.memref_slice %arg2[%add3A_106] : memref<20480000xf32, #tpu.memory_space<hbm>> -> memref<18984xf32, #tpu.memory_space<hbm>>
    %dma_start3A_284 = arith.constant 0 : i32
    %dma_start3A_285 = tpu.memref_slice %arg8[%dma_start3A_284] : memref<18984xf32, #tpu.memory_space<vmem>> -> memref<18984xf32, #tpu.memory_space<vmem>>
    %dma_start3A_286 = tpu.memref_slice %arg2[%add3A_106] : memref<20480000xf32, #tpu.memory_space<hbm>> -> memref<18984xf32, #tpu.memory_space<hbm>>
    tpu.enqueue_dma source(%dma_start3A_286 : memref<18984xf32, #tpu.memory_space<hbm>>) target(%dma_start3A_285 : memref<18984xf32, #tpu.memory_space<vmem>>) target_semaphore(%arg14 : memref<!tpu.dma_semaphore, #tpu.memory_space<semaphore_mem>>)
    %dma_wait3A_287 = arith.constant 0 : i32
    %dma_wait3A_288 = tpu.memref_slice %arg6[%dma_wait3A_287] : memref<18984xf32, #tpu.memory_space<vmem>> -> memref<18984xf32, #tpu.memory_space<vmem>>
    %dma_wait3A_289 = tpu.memref_slice %arg2[%add3A_92] : memref<20480000xf32, #tpu.memory_space<hbm>> -> memref<18984xf32, #tpu.memory_space<hbm>>
    %dma_wait3A_290 = arith.constant 0 : i32
    %dma_wait3A_291 = tpu.memref_slice %arg6[%dma_wait3A_290] : memref<18984xf32, #tpu.memory_space<vmem>> -> memref<18984xf32, #tpu.memory_space<vmem>>
    %dma_wait3A_292 = tpu.memref_slice %arg2[%add3A_92] : memref<20480000xf32, #tpu.memory_space<hbm>> -> memref<18984xf32, #tpu.memory_space<hbm>>
    tpu.wait_dma2 semaphore(%arg12 : memref<!tpu.dma_semaphore, #tpu.memory_space<semaphore_mem>>) src(%dma_wait3A_292 : memref<18984xf32, #tpu.memory_space<hbm>>) dst(%dma_wait3A_291 : memref<18984xf32, #tpu.memory_space<vmem>>)
    %dma_wait3A_293 = arith.constant 0 : i32
    %dma_wait3A_294 = tpu.memref_slice %arg9[%dma_wait3A_293] : memref<18976xf32, #tpu.memory_space<vmem>> -> memref<18976xf32, #tpu.memory_space<vmem>>
    %dma_wait3A_295 = tpu.memref_slice %arg4[%multiple_of3A_76] : memref<9715712xf32, #tpu.memory_space<hbm>> -> memref<18976xf32, #tpu.memory_space<hbm>>
    %dma_wait3A_296 = tpu.memref_slice %arg4[%multiple_of3A_76] : memref<9715712xf32, #tpu.memory_space<hbm>> -> memref<18976xf32, #tpu.memory_space<hbm>>
    %dma_wait3A_297 = arith.constant 0 : i32
    %dma_wait3A_298 = tpu.memref_slice %arg9[%dma_wait3A_297] : memref<18976xf32, #tpu.memory_space<vmem>> -> memref<18976xf32, #tpu.memory_space<vmem>>
    tpu.wait_dma2 semaphore(%arg15 : memref<!tpu.dma_semaphore, #tpu.memory_space<semaphore_mem>>) src(%dma_wait3A_298 : memref<18976xf32, #tpu.memory_space<vmem>>) dst(%dma_wait3A_296 : memref<18976xf32, #tpu.memory_space<hbm>>)
    %parallel_loop3A_299 = arith.constant 0 : i32
    %parallel_loop3A_300 = arith.constant 1186 : i32
    %parallel_loop3A_301 = arith.constant 1 : i32
    scf.for %parallel_loop3A_638 = %parallel_loop3A_299 to %parallel_loop3A_300 step %parallel_loop3A_301  : i32 {
      %parallel_loop3A_639 = arith.constant 16 : i32
      %parallel_loop3A_640 = arith.muli %parallel_loop3A_638, %parallel_loop3A_639 : i32
      %parallel_loop3A_641 = arith.addi %parallel_loop3A_640, %select_n3A_65 : i32
      %parallel_loop3A_642 = arith.index_cast %parallel_loop3A_641 : i32 to index
      %parallel_loop3A_643 = tpu.vector_load %arg6[%parallel_loop3A_642] {strides = array<i32>} : memref<18984xf32, #tpu.memory_space<vmem>>, vector<16xf32>,
      %parallel_loop3A_644 = arith.constant 16 : i32
      %parallel_loop3A_645 = arith.muli %parallel_loop3A_638, %parallel_loop3A_644 : i32
      %parallel_loop3A_646 = arith.index_cast %parallel_loop3A_645 : i32 to index
      %parallel_loop3A_647 = tpu.vector_load %arg9[%parallel_loop3A_646] {strides = array<i32>} : memref<18976xf32, #tpu.memory_space<vmem>>, vector<16xf32>,
      tpu.vector_store %arg9[%parallel_loop3A_646], %parallel_loop3A_643 {strides = array<i32>} : memref<18976xf32, #tpu.memory_space<vmem>>, vector<16xf32>,
    } {sc.loop_unroll_factor = 8 : i64, sc.parallel_access}
    %dma_start3A_302 = arith.constant 0 : i32
    %dma_start3A_303 = tpu.memref_slice %arg9[%dma_start3A_302] : memref<18976xf32, #tpu.memory_space<vmem>> -> memref<18976xf32, #tpu.memory_space<vmem>>
    %dma_start3A_304 = tpu.memref_slice %arg4[%multiple_of3A_97] : memref<9715712xf32, #tpu.memory_space<hbm>> -> memref<18976xf32, #tpu.memory_space<hbm>>
    %dma_start3A_305 = tpu.memref_slice %arg4[%multiple_of3A_97] : memref<9715712xf32, #tpu.memory_space<hbm>> -> memref<18976xf32, #tpu.memory_space<hbm>>
    %dma_start3A_306 = arith.constant 0 : i32
    %dma_start3A_307 = tpu.memref_slice %arg9[%dma_start3A_306] : memref<18976xf32, #tpu.memory_space<vmem>> -> memref<18976xf32, #tpu.memory_space<vmem>>
    tpu.enqueue_dma source(%dma_start3A_307 : memref<18976xf32, #tpu.memory_space<vmem>>) target(%dma_start3A_305 : memref<18976xf32, #tpu.memory_space<hbm>>) target_semaphore(%arg15 : memref<!tpu.dma_semaphore, #tpu.memory_space<semaphore_mem>>)
    %dma_start3A_308 = arith.constant 0 : i32
    %dma_start3A_309 = tpu.memref_slice %arg6[%dma_start3A_308] : memref<18984xf32, #tpu.memory_space<vmem>> -> memref<18984xf32, #tpu.memory_space<vmem>>
    %dma_start3A_310 = tpu.memref_slice %arg2[%add3A_113] : memref<20480000xf32, #tpu.memory_space<hbm>> -> memref<18984xf32, #tpu.memory_space<hbm>>
    %dma_start3A_311 = arith.constant 0 : i32
    %dma_start3A_312 = tpu.memref_slice %arg6[%dma_start3A_311] : memref<18984xf32, #tpu.memory_space<vmem>> -> memref<18984xf32, #tpu.memory_space<vmem>>
    %dma_start3A_313 = tpu.memref_slice %arg2[%add3A_113] : memref<20480000xf32, #tpu.memory_space<hbm>> -> memref<18984xf32, #tpu.memory_space<hbm>>
    tpu.enqueue_dma source(%dma_start3A_313 : memref<18984xf32, #tpu.memory_space<hbm>>) target(%dma_start3A_312 : memref<18984xf32, #tpu.memory_space<vmem>>) target_semaphore(%arg12 : memref<!tpu.dma_semaphore, #tpu.memory_space<semaphore_mem>>)
    %dma_wait3A_314 = arith.constant 0 : i32
    %dma_wait3A_315 = tpu.memref_slice %arg7[%dma_wait3A_314] : memref<18984xf32, #tpu.memory_space<vmem>> -> memref<18984xf32, #tpu.memory_space<vmem>>
    %dma_wait3A_316 = tpu.memref_slice %arg2[%add3A_99] : memref<20480000xf32, #tpu.memory_space<hbm>> -> memref<18984xf32, #tpu.memory_space<hbm>>
    %dma_wait3A_317 = arith.constant 0 : i32
    %dma_wait3A_318 = tpu.memref_slice %arg7[%dma_wait3A_317] : memref<18984xf32, #tpu.memory_space<vmem>> -> memref<18984xf32, #tpu.memory_space<vmem>>
    %dma_wait3A_319 = tpu.memref_slice %arg2[%add3A_99] : memref<20480000xf32, #tpu.memory_space<hbm>> -> memref<18984xf32, #tpu.memory_space<hbm>>
    tpu.wait_dma2 semaphore(%arg13 : memref<!tpu.dma_semaphore, #tpu.memory_space<semaphore_mem>>) src(%dma_wait3A_319 : memref<18984xf32, #tpu.memory_space<hbm>>) dst(%dma_wait3A_318 : memref<18984xf32, #tpu.memory_space<vmem>>)
    %dma_wait3A_320 = arith.constant 0 : i32
    %dma_wait3A_321 = tpu.memref_slice %arg10[%dma_wait3A_320] : memref<18976xf32, #tpu.memory_space<vmem>> -> memref<18976xf32, #tpu.memory_space<vmem>>
    %dma_wait3A_322 = tpu.memref_slice %arg4[%multiple_of3A_83] : memref<9715712xf32, #tpu.memory_space<hbm>> -> memref<18976xf32, #tpu.memory_space<hbm>>
    %dma_wait3A_323 = tpu.memref_slice %arg4[%multiple_of3A_83] : memref<9715712xf32, #tpu.memory_space<hbm>> -> memref<18976xf32, #tpu.memory_space<hbm>>
    %dma_wait3A_324 = arith.constant 0 : i32
    %dma_wait3A_325 = tpu.memref_slice %arg10[%dma_wait3A_324] : memref<18976xf32, #tpu.memory_space<vmem>> -> memref<18976xf32, #tpu.memory_space<vmem>>
    tpu.wait_dma2 semaphore(%arg16 : memref<!tpu.dma_semaphore, #tpu.memory_space<semaphore_mem>>) src(%dma_wait3A_325 : memref<18976xf32, #tpu.memory_space<vmem>>) dst(%dma_wait3A_323 : memref<18976xf32, #tpu.memory_space<hbm>>)
    %parallel_loop3A_326 = arith.constant 0 : i32
    %parallel_loop3A_327 = arith.constant 1186 : i32
    %parallel_loop3A_328 = arith.constant 1 : i32
    scf.for %parallel_loop3A_638 = %parallel_loop3A_326 to %parallel_loop3A_327 step %parallel_loop3A_328  : i32 {
      %parallel_loop3A_639 = arith.constant 16 : i32
      %parallel_loop3A_640 = arith.muli %parallel_loop3A_638, %parallel_loop3A_639 : i32
      %parallel_loop3A_641 = arith.addi %parallel_loop3A_640, %select_n3A_65 : i32
      %parallel_loop3A_642 = arith.index_cast %parallel_loop3A_641 : i32 to index
      %parallel_loop3A_643 = tpu.vector_load %arg7[%parallel_loop3A_642] {strides = array<i32>} : memref<18984xf32, #tpu.memory_space<vmem>>, vector<16xf32>,
      %parallel_loop3A_644 = arith.constant 16 : i32
      %parallel_loop3A_645 = arith.muli %parallel_loop3A_638, %parallel_loop3A_644 : i32
      %parallel_loop3A_646 = arith.index_cast %parallel_loop3A_645 : i32 to index
      %parallel_loop3A_647 = tpu.vector_load %arg10[%parallel_loop3A_646] {strides = array<i32>} : memref<18976xf32, #tpu.memory_space<vmem>>, vector<16xf32>,
      tpu.vector_store %arg10[%parallel_loop3A_646], %parallel_loop3A_643 {strides = array<i32>} : memref<18976xf32, #tpu.memory_space<vmem>>, vector<16xf32>,
    } {sc.loop_unroll_factor = 8 : i64, sc.parallel_access}
    %dma_start3A_329 = arith.constant 0 : i32
    %dma_start3A_330 = tpu.memref_slice %arg10[%dma_start3A_329] : memref<18976xf32, #tpu.memory_space<vmem>> -> memref<18976xf32, #tpu.memory_space<vmem>>
    %dma_start3A_331 = tpu.memref_slice %arg4[%multiple_of3A_104] : memref<9715712xf32, #tpu.memory_space<hbm>> -> memref<18976xf32, #tpu.memory_space<hbm>>
    %dma_start3A_332 = tpu.memref_slice %arg4[%multiple_of3A_104] : memref<9715712xf32, #tpu.memory_space<hbm>> -> memref<18976xf32, #tpu.memory_space<hbm>>
    %dma_start3A_333 = arith.constant 0 : i32
    %dma_start3A_334 = tpu.memref_slice %arg10[%dma_start3A_333] : memref<18976xf32, #tpu.memory_space<vmem>> -> memref<18976xf32, #tpu.memory_space<vmem>>
    tpu.enqueue_dma source(%dma_start3A_334 : memref<18976xf32, #tpu.memory_space<vmem>>) target(%dma_start3A_332 : memref<18976xf32, #tpu.memory_space<hbm>>) target_semaphore(%arg16 : memref<!tpu.dma_semaphore, #tpu.memory_space<semaphore_mem>>)
    %dma_start3A_335 = arith.constant 0 : i32
    %dma_start3A_336 = tpu.memref_slice %arg7[%dma_start3A_335] : memref<18984xf32, #tpu.memory_space<vmem>> -> memref<18984xf32, #tpu.memory_space<vmem>>
    %dma_start3A_337 = tpu.memref_slice %arg2[%add3A_120] : memref<20480000xf32, #tpu.memory_space<hbm>> -> memref<18984xf32, #tpu.memory_space<hbm>>
    %dma_start3A_338 = arith.constant 0 : i32
    %dma_start3A_339 = tpu.memref_slice %arg7[%dma_start3A_338] : memref<18984xf32, #tpu.memory_space<vmem>> -> memref<18984xf32, #tpu.memory_space<vmem>>
    %dma_start3A_340 = tpu.memref_slice %arg2[%add3A_120] : memref<20480000xf32, #tpu.memory_space<hbm>> -> memref<18984xf32, #tpu.memory_space<hbm>>
    tpu.enqueue_dma source(%dma_start3A_340 : memref<18984xf32, #tpu.memory_space<hbm>>) target(%dma_start3A_339 : memref<18984xf32, #tpu.memory_space<vmem>>) target_semaphore(%arg13 : memref<!tpu.dma_semaphore, #tpu.memory_space<semaphore_mem>>)
    %dma_wait3A_341 = arith.constant 0 : i32
    %dma_wait3A_342 = tpu.memref_slice %arg8[%dma_wait3A_341] : memref<18984xf32, #tpu.memory_space<vmem>> -> memref<18984xf32, #tpu.memory_space<vmem>>
    %dma_wait3A_343 = tpu.memref_slice %arg2[%add3A_106] : memref<20480000xf32, #tpu.memory_space<hbm>> -> memref<18984xf32, #tpu.memory_space<hbm>>
    %dma_wait3A_344 = arith.constant 0 : i32
    %dma_wait3A_345 = tpu.memref_slice %arg8[%dma_wait3A_344] : memref<18984xf32, #tpu.memory_space<vmem>> -> memref<18984xf32, #tpu.memory_space<vmem>>
    %dma_wait3A_346 = tpu.memref_slice %arg2[%add3A_106] : memref<20480000xf32, #tpu.memory_space<hbm>> -> memref<18984xf32, #tpu.memory_space<hbm>>
    tpu.wait_dma2 semaphore(%arg14 : memref<!tpu.dma_semaphore, #tpu.memory_space<semaphore_mem>>) src(%dma_wait3A_346 : memref<18984xf32, #tpu.memory_space<hbm>>) dst(%dma_wait3A_345 : memref<18984xf32, #tpu.memory_space<vmem>>)
    %dma_wait3A_347 = arith.constant 0 : i32
    %dma_wait3A_348 = tpu.memref_slice %arg11[%dma_wait3A_347] : memref<18976xf32, #tpu.memory_space<vmem>> -> memref<18976xf32, #tpu.memory_space<vmem>>
    %dma_wait3A_349 = tpu.memref_slice %arg4[%multiple_of3A_90] : memref<9715712xf32, #tpu.memory_space<hbm>> -> memref<18976xf32, #tpu.memory_space<hbm>>
    %dma_wait3A_350 = tpu.memref_slice %arg4[%multiple_of3A_90] : memref<9715712xf32, #tpu.memory_space<hbm>> -> memref<18976xf32, #tpu.memory_space<hbm>>
    %dma_wait3A_351 = arith.constant 0 : i32
    %dma_wait3A_352 = tpu.memref_slice %arg11[%dma_wait3A_351] : memref<18976xf32, #tpu.memory_space<vmem>> -> memref<18976xf32, #tpu.memory_space<vmem>>
    tpu.wait_dma2 semaphore(%arg17 : memref<!tpu.dma_semaphore, #tpu.memory_space<semaphore_mem>>) src(%dma_wait3A_352 : memref<18976xf32, #tpu.memory_space<vmem>>) dst(%dma_wait3A_350 : memref<18976xf32, #tpu.memory_space<hbm>>)
    %parallel_loop3A_353 = arith.constant 0 : i32
    %parallel_loop3A_354 = arith.constant 1186 : i32
    %parallel_loop3A_355 = arith.constant 1 : i32
    scf.for %parallel_loop3A_638 = %parallel_loop3A_353 to %parallel_loop3A_354 step %parallel_loop3A_355  : i32 {
      %parallel_loop3A_639 = arith.constant 16 : i32
      %parallel_loop3A_640 = arith.muli %parallel_loop3A_638, %parallel_loop3A_639 : i32
      %parallel_loop3A_641 = arith.addi %parallel_loop3A_640, %select_n3A_65 : i32
      %parallel_loop3A_642 = arith.index_cast %parallel_loop3A_641 : i32 to index
      %parallel_loop3A_643 = tpu.vector_load %arg8[%parallel_loop3A_642] {strides = array<i32>} : memref<18984xf32, #tpu.memory_space<vmem>>, vector<16xf32>,
      %parallel_loop3A_644 = arith.constant 16 : i32
      %parallel_loop3A_645 = arith.muli %parallel_loop3A_638, %parallel_loop3A_644 : i32
      %parallel_loop3A_646 = arith.index_cast %parallel_loop3A_645 : i32 to index
      %parallel_loop3A_647 = tpu.vector_load %arg11[%parallel_loop3A_646] {strides = array<i32>} : memref<18976xf32, #tpu.memory_space<vmem>>, vector<16xf32>,
      tpu.vector_store %arg11[%parallel_loop3A_646], %parallel_loop3A_643 {strides = array<i32>} : memref<18976xf32, #tpu.memory_space<vmem>>, vector<16xf32>,
    } {sc.loop_unroll_factor = 8 : i64, sc.parallel_access}
    %dma_start3A_356 = arith.constant 0 : i32
    %dma_start3A_357 = tpu.memref_slice %arg11[%dma_start3A_356] : memref<18976xf32, #tpu.memory_space<vmem>> -> memref<18976xf32, #tpu.memory_space<vmem>>
    %dma_start3A_358 = tpu.memref_slice %arg4[%multiple_of3A_111] : memref<9715712xf32, #tpu.memory_space<hbm>> -> memref<18976xf32, #tpu.memory_space<hbm>>
    %dma_start3A_359 = tpu.memref_slice %arg4[%multiple_of3A_111] : memref<9715712xf32, #tpu.memory_space<hbm>> -> memref<18976xf32, #tpu.memory_space<hbm>>
    %dma_start3A_360 = arith.constant 0 : i32
    %dma_start3A_361 = tpu.memref_slice %arg11[%dma_start3A_360] : memref<18976xf32, #tpu.memory_space<vmem>> -> memref<18976xf32, #tpu.memory_space<vmem>>
    tpu.enqueue_dma source(%dma_start3A_361 : memref<18976xf32, #tpu.memory_space<vmem>>) target(%dma_start3A_359 : memref<18976xf32, #tpu.memory_space<hbm>>) target_semaphore(%arg17 : memref<!tpu.dma_semaphore, #tpu.memory_space<semaphore_mem>>)
    %dma_start3A_362 = arith.constant 0 : i32
    %dma_start3A_363 = tpu.memref_slice %arg8[%dma_start3A_362] : memref<18984xf32, #tpu.memory_space<vmem>> -> memref<18984xf32, #tpu.memory_space<vmem>>
    %dma_start3A_364 = tpu.memref_slice %arg2[%add3A_154] : memref<20480000xf32, #tpu.memory_space<hbm>> -> memref<18984xf32, #tpu.memory_space<hbm>>
    %dma_start3A_365 = arith.constant 0 : i32
    %dma_start3A_366 = tpu.memref_slice %arg8[%dma_start3A_365] : memref<18984xf32, #tpu.memory_space<vmem>> -> memref<18984xf32, #tpu.memory_space<vmem>>
    %dma_start3A_367 = tpu.memref_slice %arg2[%add3A_154] : memref<20480000xf32, #tpu.memory_space<hbm>> -> memref<18984xf32, #tpu.memory_space<hbm>>
    tpu.enqueue_dma source(%dma_start3A_367 : memref<18984xf32, #tpu.memory_space<hbm>>) target(%dma_start3A_366 : memref<18984xf32, #tpu.memory_space<vmem>>) target_semaphore(%arg14 : memref<!tpu.dma_semaphore, #tpu.memory_space<semaphore_mem>>)
    %dma_wait3A_368 = arith.constant 0 : i32
    %dma_wait3A_369 = tpu.memref_slice %arg6[%dma_wait3A_368] : memref<18984xf32, #tpu.memory_space<vmem>> -> memref<18984xf32, #tpu.memory_space<vmem>>
    %dma_wait3A_370 = tpu.memref_slice %arg2[%add3A_113] : memref<20480000xf32, #tpu.memory_space<hbm>> -> memref<18984xf32, #tpu.memory_space<hbm>>
    %dma_wait3A_371 = arith.constant 0 : i32
    %dma_wait3A_372 = tpu.memref_slice %arg6[%dma_wait3A_371] : memref<18984xf32, #tpu.memory_space<vmem>> -> memref<18984xf32, #tpu.memory_space<vmem>>
    %dma_wait3A_373 = tpu.memref_slice %arg2[%add3A_113] : memref<20480000xf32, #tpu.memory_space<hbm>> -> memref<18984xf32, #tpu.memory_space<hbm>>
    tpu.wait_dma2 semaphore(%arg12 : memref<!tpu.dma_semaphore, #tpu.memory_space<semaphore_mem>>) src(%dma_wait3A_373 : memref<18984xf32, #tpu.memory_space<hbm>>) dst(%dma_wait3A_372 : memref<18984xf32, #tpu.memory_space<vmem>>)
    %dma_wait3A_374 = arith.constant 0 : i32
    %dma_wait3A_375 = tpu.memref_slice %arg9[%dma_wait3A_374] : memref<18976xf32, #tpu.memory_space<vmem>> -> memref<18976xf32, #tpu.memory_space<vmem>>
    %dma_wait3A_376 = tpu.memref_slice %arg4[%multiple_of3A_97] : memref<9715712xf32, #tpu.memory_space<hbm>> -> memref<18976xf32, #tpu.memory_space<hbm>>
    %dma_wait3A_377 = tpu.memref_slice %arg4[%multiple_of3A_97] : memref<9715712xf32, #tpu.memory_space<hbm>> -> memref<18976xf32, #tpu.memory_space<hbm>>
    %dma_wait3A_378 = arith.constant 0 : i32
    %dma_wait3A_379 = tpu.memref_slice %arg9[%dma_wait3A_378] : memref<18976xf32, #tpu.memory_space<vmem>> -> memref<18976xf32, #tpu.memory_space<vmem>>
    tpu.wait_dma2 semaphore(%arg15 : memref<!tpu.dma_semaphore, #tpu.memory_space<semaphore_mem>>) src(%dma_wait3A_379 : memref<18976xf32, #tpu.memory_space<vmem>>) dst(%dma_wait3A_377 : memref<18976xf32, #tpu.memory_space<hbm>>)
    %parallel_loop3A_380 = arith.constant 0 : i32
    %parallel_loop3A_381 = arith.constant 1186 : i32
    %parallel_loop3A_382 = arith.constant 1 : i32
    scf.for %parallel_loop3A_638 = %parallel_loop3A_380 to %parallel_loop3A_381 step %parallel_loop3A_382  : i32 {
      %parallel_loop3A_639 = arith.constant 16 : i32
      %parallel_loop3A_640 = arith.muli %parallel_loop3A_638, %parallel_loop3A_639 : i32
      %parallel_loop3A_641 = arith.addi %parallel_loop3A_640, %select_n3A_65 : i32
      %parallel_loop3A_642 = arith.index_cast %parallel_loop3A_641 : i32 to index
      %parallel_loop3A_643 = tpu.vector_load %arg6[%parallel_loop3A_642] {strides = array<i32>} : memref<18984xf32, #tpu.memory_space<vmem>>, vector<16xf32>,
      %parallel_loop3A_644 = arith.constant 16 : i32
      %parallel_loop3A_645 = arith.muli %parallel_loop3A_638, %parallel_loop3A_644 : i32
      %parallel_loop3A_646 = arith.index_cast %parallel_loop3A_645 : i32 to index
      %parallel_loop3A_647 = tpu.vector_load %arg9[%parallel_loop3A_646] {strides = array<i32>} : memref<18976xf32, #tpu.memory_space<vmem>>, vector<16xf32>,
      tpu.vector_store %arg9[%parallel_loop3A_646], %parallel_loop3A_643 {strides = array<i32>} : memref<18976xf32, #tpu.memory_space<vmem>>, vector<16xf32>,
    } {sc.loop_unroll_factor = 8 : i64, sc.parallel_access}
    %dma_start3A_383 = arith.constant 0 : i32
    %dma_start3A_384 = tpu.memref_slice %arg9[%dma_start3A_383] : memref<18976xf32, #tpu.memory_space<vmem>> -> memref<18976xf32, #tpu.memory_space<vmem>>
    %dma_start3A_385 = tpu.memref_slice %arg4[%multiple_of3A_118] : memref<9715712xf32, #tpu.memory_space<hbm>> -> memref<18976xf32, #tpu.memory_space<hbm>>
    %dma_start3A_386 = tpu.memref_slice %arg4[%multiple_of3A_118] : memref<9715712xf32, #tpu.memory_space<hbm>> -> memref<18976xf32, #tpu.memory_space<hbm>>
    %dma_start3A_387 = arith.constant 0 : i32
    %dma_start3A_388 = tpu.memref_slice %arg9[%dma_start3A_387] : memref<18976xf32, #tpu.memory_space<vmem>> -> memref<18976xf32, #tpu.memory_space<vmem>>
    tpu.enqueue_dma source(%dma_start3A_388 : memref<18976xf32, #tpu.memory_space<vmem>>) target(%dma_start3A_386 : memref<18976xf32, #tpu.memory_space<hbm>>) target_semaphore(%arg15 : memref<!tpu.dma_semaphore, #tpu.memory_space<semaphore_mem>>)
    %dma_start3A_389 = arith.constant 0 : i32
    %dma_start3A_390 = tpu.memref_slice %arg6[%dma_start3A_389] : memref<18984xf32, #tpu.memory_space<vmem>> -> memref<18984xf32, #tpu.memory_space<vmem>>
    %dma_start3A_391 = tpu.memref_slice %arg2[%add3A_161] : memref<20480000xf32, #tpu.memory_space<hbm>> -> memref<18984xf32, #tpu.memory_space<hbm>>
    %dma_start3A_392 = arith.constant 0 : i32
    %dma_start3A_393 = tpu.memref_slice %arg6[%dma_start3A_392] : memref<18984xf32, #tpu.memory_space<vmem>> -> memref<18984xf32, #tpu.memory_space<vmem>>
    %dma_start3A_394 = tpu.memref_slice %arg2[%add3A_161] : memref<20480000xf32, #tpu.memory_space<hbm>> -> memref<18984xf32, #tpu.memory_space<hbm>>
    tpu.enqueue_dma source(%dma_start3A_394 : memref<18984xf32, #tpu.memory_space<hbm>>) target(%dma_start3A_393 : memref<18984xf32, #tpu.memory_space<vmem>>) target_semaphore(%arg12 : memref<!tpu.dma_semaphore, #tpu.memory_space<semaphore_mem>>)
    %dma_wait3A_395 = arith.constant 0 : i32
    %dma_wait3A_396 = tpu.memref_slice %arg7[%dma_wait3A_395] : memref<18984xf32, #tpu.memory_space<vmem>> -> memref<18984xf32, #tpu.memory_space<vmem>>
    %dma_wait3A_397 = tpu.memref_slice %arg2[%add3A_120] : memref<20480000xf32, #tpu.memory_space<hbm>> -> memref<18984xf32, #tpu.memory_space<hbm>>
    %dma_wait3A_398 = arith.constant 0 : i32
    %dma_wait3A_399 = tpu.memref_slice %arg7[%dma_wait3A_398] : memref<18984xf32, #tpu.memory_space<vmem>> -> memref<18984xf32, #tpu.memory_space<vmem>>
    %dma_wait3A_400 = tpu.memref_slice %arg2[%add3A_120] : memref<20480000xf32, #tpu.memory_space<hbm>> -> memref<18984xf32, #tpu.memory_space<hbm>>
    tpu.wait_dma2 semaphore(%arg13 : memref<!tpu.dma_semaphore, #tpu.memory_space<semaphore_mem>>) src(%dma_wait3A_400 : memref<18984xf32, #tpu.memory_space<hbm>>) dst(%dma_wait3A_399 : memref<18984xf32, #tpu.memory_space<vmem>>)
    %dma_wait3A_401 = arith.constant 0 : i32
    %dma_wait3A_402 = tpu.memref_slice %arg10[%dma_wait3A_401] : memref<18976xf32, #tpu.memory_space<vmem>> -> memref<18976xf32, #tpu.memory_space<vmem>>
    %dma_wait3A_403 = tpu.memref_slice %arg4[%multiple_of3A_104] : memref<9715712xf32, #tpu.memory_space<hbm>> -> memref<18976xf32, #tpu.memory_space<hbm>>
    %dma_wait3A_404 = tpu.memref_slice %arg4[%multiple_of3A_104] : memref<9715712xf32, #tpu.memory_space<hbm>> -> memref<18976xf32, #tpu.memory_space<hbm>>
    %dma_wait3A_405 = arith.constant 0 : i32
    %dma_wait3A_406 = tpu.memref_slice %arg10[%dma_wait3A_405] : memref<18976xf32, #tpu.memory_space<vmem>> -> memref<18976xf32, #tpu.memory_space<vmem>>
    tpu.wait_dma2 semaphore(%arg16 : memref<!tpu.dma_semaphore, #tpu.memory_space<semaphore_mem>>) src(%dma_wait3A_406 : memref<18976xf32, #tpu.memory_space<vmem>>) dst(%dma_wait3A_404 : memref<18976xf32, #tpu.memory_space<hbm>>)
    %parallel_loop3A_407 = arith.constant 0 : i32
    %parallel_loop3A_408 = arith.constant 1186 : i32
    %parallel_loop3A_409 = arith.constant 1 : i32
    scf.for %parallel_loop3A_638 = %parallel_loop3A_407 to %parallel_loop3A_408 step %parallel_loop3A_409  : i32 {
      %parallel_loop3A_639 = arith.constant 16 : i32
      %parallel_loop3A_640 = arith.muli %parallel_loop3A_638, %parallel_loop3A_639 : i32
      %parallel_loop3A_641 = arith.addi %parallel_loop3A_640, %select_n3A_65 : i32
      %parallel_loop3A_642 = arith.index_cast %parallel_loop3A_641 : i32 to index
      %parallel_loop3A_643 = tpu.vector_load %arg7[%parallel_loop3A_642] {strides = array<i32>} : memref<18984xf32, #tpu.memory_space<vmem>>, vector<16xf32>,
      %parallel_loop3A_644 = arith.constant 16 : i32
      %parallel_loop3A_645 = arith.muli %parallel_loop3A_638, %parallel_loop3A_644 : i32
      %parallel_loop3A_646 = arith.index_cast %parallel_loop3A_645 : i32 to index
      %parallel_loop3A_647 = tpu.vector_load %arg10[%parallel_loop3A_646] {strides = array<i32>} : memref<18976xf32, #tpu.memory_space<vmem>>, vector<16xf32>,
      tpu.vector_store %arg10[%parallel_loop3A_646], %parallel_loop3A_643 {strides = array<i32>} : memref<18976xf32, #tpu.memory_space<vmem>>, vector<16xf32>,
    } {sc.loop_unroll_factor = 8 : i64, sc.parallel_access}
    %dma_start3A_410 = arith.constant 0 : i32
    %dma_start3A_411 = tpu.memref_slice %arg10[%dma_start3A_410] : memref<18976xf32, #tpu.memory_space<vmem>> -> memref<18976xf32, #tpu.memory_space<vmem>>
    %dma_start3A_412 = tpu.memref_slice %arg4[%multiple_of3A_125] : memref<9715712xf32, #tpu.memory_space<hbm>> -> memref<18976xf32, #tpu.memory_space<hbm>>
    %dma_start3A_413 = tpu.memref_slice %arg4[%multiple_of3A_125] : memref<9715712xf32, #tpu.memory_space<hbm>> -> memref<18976xf32, #tpu.memory_space<hbm>>
    %dma_start3A_414 = arith.constant 0 : i32
    %dma_start3A_415 = tpu.memref_slice %arg10[%dma_start3A_414] : memref<18976xf32, #tpu.memory_space<vmem>> -> memref<18976xf32, #tpu.memory_space<vmem>>
    tpu.enqueue_dma source(%dma_start3A_415 : memref<18976xf32, #tpu.memory_space<vmem>>) target(%dma_start3A_413 : memref<18976xf32, #tpu.memory_space<hbm>>) target_semaphore(%arg16 : memref<!tpu.dma_semaphore, #tpu.memory_space<semaphore_mem>>)
    %dma_start3A_416 = arith.constant 0 : i32
    %dma_start3A_417 = tpu.memref_slice %arg7[%dma_start3A_416] : memref<18984xf32, #tpu.memory_space<vmem>> -> memref<18984xf32, #tpu.memory_space<vmem>>
    %dma_start3A_418 = tpu.memref_slice %arg2[%add3A_168] : memref<20480000xf32, #tpu.memory_space<hbm>> -> memref<18984xf32, #tpu.memory_space<hbm>>
    %dma_start3A_419 = arith.constant 0 : i32
    %dma_start3A_420 = tpu.memref_slice %arg7[%dma_start3A_419] : memref<18984xf32, #tpu.memory_space<vmem>> -> memref<18984xf32, #tpu.memory_space<vmem>>
    %dma_start3A_421 = tpu.memref_slice %arg2[%add3A_168] : memref<20480000xf32, #tpu.memory_space<hbm>> -> memref<18984xf32, #tpu.memory_space<hbm>>
    tpu.enqueue_dma source(%dma_start3A_421 : memref<18984xf32, #tpu.memory_space<hbm>>) target(%dma_start3A_420 : memref<18984xf32, #tpu.memory_space<vmem>>) target_semaphore(%arg13 : memref<!tpu.dma_semaphore, #tpu.memory_space<semaphore_mem>>)
    %dma_wait3A_422 = arith.constant 0 : i32
    %dma_wait3A_423 = tpu.memref_slice %arg8[%dma_wait3A_422] : memref<18984xf32, #tpu.memory_space<vmem>> -> memref<18984xf32, #tpu.memory_space<vmem>>
    %dma_wait3A_424 = tpu.memref_slice %arg2[%add3A_154] : memref<20480000xf32, #tpu.memory_space<hbm>> -> memref<18984xf32, #tpu.memory_space<hbm>>
    %dma_wait3A_425 = arith.constant 0 : i32
    %dma_wait3A_426 = tpu.memref_slice %arg8[%dma_wait3A_425] : memref<18984xf32, #tpu.memory_space<vmem>> -> memref<18984xf32, #tpu.memory_space<vmem>>
    %dma_wait3A_427 = tpu.memref_slice %arg2[%add3A_154] : memref<20480000xf32, #tpu.memory_space<hbm>> -> memref<18984xf32, #tpu.memory_space<hbm>>
    tpu.wait_dma2 semaphore(%arg14 : memref<!tpu.dma_semaphore, #tpu.memory_space<semaphore_mem>>) src(%dma_wait3A_427 : memref<18984xf32, #tpu.memory_space<hbm>>) dst(%dma_wait3A_426 : memref<18984xf32, #tpu.memory_space<vmem>>)
    %dma_wait3A_428 = arith.constant 0 : i32
    %dma_wait3A_429 = tpu.memref_slice %arg11[%dma_wait3A_428] : memref<18976xf32, #tpu.memory_space<vmem>> -> memref<18976xf32, #tpu.memory_space<vmem>>
    %dma_wait3A_430 = tpu.memref_slice %arg4[%multiple_of3A_111] : memref<9715712xf32, #tpu.memory_space<hbm>> -> memref<18976xf32, #tpu.memory_space<hbm>>
    %dma_wait3A_431 = tpu.memref_slice %arg4[%multiple_of3A_111] : memref<9715712xf32, #tpu.memory_space<hbm>> -> memref<18976xf32, #tpu.memory_space<hbm>>
    %dma_wait3A_432 = arith.constant 0 : i32
    %dma_wait3A_433 = tpu.memref_slice %arg11[%dma_wait3A_432] : memref<18976xf32, #tpu.memory_space<vmem>> -> memref<18976xf32, #tpu.memory_space<vmem>>
    tpu.wait_dma2 semaphore(%arg17 : memref<!tpu.dma_semaphore, #tpu.memory_space<semaphore_mem>>) src(%dma_wait3A_433 : memref<18976xf32, #tpu.memory_space<vmem>>) dst(%dma_wait3A_431 : memref<18976xf32, #tpu.memory_space<hbm>>)
    %parallel_loop3A_434 = arith.constant 0 : i32
    %parallel_loop3A_435 = arith.constant 1186 : i32
    %parallel_loop3A_436 = arith.constant 1 : i32
    scf.for %parallel_loop3A_638 = %parallel_loop3A_434 to %parallel_loop3A_435 step %parallel_loop3A_436  : i32 {
      %parallel_loop3A_639 = arith.constant 16 : i32
      %parallel_loop3A_640 = arith.muli %parallel_loop3A_638, %parallel_loop3A_639 : i32
      %parallel_loop3A_641 = arith.addi %parallel_loop3A_640, %select_n3A_147 : i32
      %parallel_loop3A_642 = arith.index_cast %parallel_loop3A_641 : i32 to index
      %parallel_loop3A_643 = tpu.vector_load %arg8[%parallel_loop3A_642] {strides = array<i32>} : memref<18984xf32, #tpu.memory_space<vmem>>, vector<16xf32>,
      %parallel_loop3A_644 = arith.constant 16 : i32
      %parallel_loop3A_645 = arith.muli %parallel_loop3A_638, %parallel_loop3A_644 : i32
      %parallel_loop3A_646 = arith.index_cast %parallel_loop3A_645 : i32 to index
      %parallel_loop3A_647 = tpu.vector_load %arg11[%parallel_loop3A_646] {strides = array<i32>} : memref<18976xf32, #tpu.memory_space<vmem>>, vector<16xf32>,
      tpu.vector_store %arg11[%parallel_loop3A_646], %parallel_loop3A_643 {strides = array<i32>} : memref<18976xf32, #tpu.memory_space<vmem>>, vector<16xf32>,
    } {sc.loop_unroll_factor = 8 : i64, sc.parallel_access}
    %dma_start3A_437 = arith.constant 0 : i32
    %dma_start3A_438 = tpu.memref_slice %arg11[%dma_start3A_437] : memref<18976xf32, #tpu.memory_space<vmem>> -> memref<18976xf32, #tpu.memory_space<vmem>>
    %dma_start3A_439 = tpu.memref_slice %arg4[%multiple_of3A_159] : memref<9715712xf32, #tpu.memory_space<hbm>> -> memref<18976xf32, #tpu.memory_space<hbm>>
    %dma_start3A_440 = tpu.memref_slice %arg4[%multiple_of3A_159] : memref<9715712xf32, #tpu.memory_space<hbm>> -> memref<18976xf32, #tpu.memory_space<hbm>>
    %dma_start3A_441 = arith.constant 0 : i32
    %dma_start3A_442 = tpu.memref_slice %arg11[%dma_start3A_441] : memref<18976xf32, #tpu.memory_space<vmem>> -> memref<18976xf32, #tpu.memory_space<vmem>>
    tpu.enqueue_dma source(%dma_start3A_442 : memref<18976xf32, #tpu.memory_space<vmem>>) target(%dma_start3A_440 : memref<18976xf32, #tpu.memory_space<hbm>>) target_semaphore(%arg17 : memref<!tpu.dma_semaphore, #tpu.memory_space<semaphore_mem>>)
    %dma_start3A_443 = arith.constant 0 : i32
    %dma_start3A_444 = tpu.memref_slice %arg8[%dma_start3A_443] : memref<18984xf32, #tpu.memory_space<vmem>> -> memref<18984xf32, #tpu.memory_space<vmem>>
    %dma_start3A_445 = tpu.memref_slice %arg2[%add3A_175] : memref<20480000xf32, #tpu.memory_space<hbm>> -> memref<18984xf32, #tpu.memory_space<hbm>>
    %dma_start3A_446 = arith.constant 0 : i32
    %dma_start3A_447 = tpu.memref_slice %arg8[%dma_start3A_446] : memref<18984xf32, #tpu.memory_space<vmem>> -> memref<18984xf32, #tpu.memory_space<vmem>>
    %dma_start3A_448 = tpu.memref_slice %arg2[%add3A_175] : memref<20480000xf32, #tpu.memory_space<hbm>> -> memref<18984xf32, #tpu.memory_space<hbm>>
    tpu.enqueue_dma source(%dma_start3A_448 : memref<18984xf32, #tpu.memory_space<hbm>>) target(%dma_start3A_447 : memref<18984xf32, #tpu.memory_space<vmem>>) target_semaphore(%arg14 : memref<!tpu.dma_semaphore, #tpu.memory_space<semaphore_mem>>)
    %dma_wait3A_449 = arith.constant 0 : i32
    %dma_wait3A_450 = tpu.memref_slice %arg6[%dma_wait3A_449] : memref<18984xf32, #tpu.memory_space<vmem>> -> memref<18984xf32, #tpu.memory_space<vmem>>
    %dma_wait3A_451 = tpu.memref_slice %arg2[%add3A_161] : memref<20480000xf32, #tpu.memory_space<hbm>> -> memref<18984xf32, #tpu.memory_space<hbm>>
    %dma_wait3A_452 = arith.constant 0 : i32
    %dma_wait3A_453 = tpu.memref_slice %arg6[%dma_wait3A_452] : memref<18984xf32, #tpu.memory_space<vmem>> -> memref<18984xf32, #tpu.memory_space<vmem>>
    %dma_wait3A_454 = tpu.memref_slice %arg2[%add3A_161] : memref<20480000xf32, #tpu.memory_space<hbm>> -> memref<18984xf32, #tpu.memory_space<hbm>>
    tpu.wait_dma2 semaphore(%arg12 : memref<!tpu.dma_semaphore, #tpu.memory_space<semaphore_mem>>) src(%dma_wait3A_454 : memref<18984xf32, #tpu.memory_space<hbm>>) dst(%dma_wait3A_453 : memref<18984xf32, #tpu.memory_space<vmem>>)
    %dma_wait3A_455 = arith.constant 0 : i32
    %dma_wait3A_456 = tpu.memref_slice %arg9[%dma_wait3A_455] : memref<18976xf32, #tpu.memory_space<vmem>> -> memref<18976xf32, #tpu.memory_space<vmem>>
    %dma_wait3A_457 = tpu.memref_slice %arg4[%multiple_of3A_118] : memref<9715712xf32, #tpu.memory_space<hbm>> -> memref<18976xf32, #tpu.memory_space<hbm>>
    %dma_wait3A_458 = tpu.memref_slice %arg4[%multiple_of3A_118] : memref<9715712xf32, #tpu.memory_space<hbm>> -> memref<18976xf32, #tpu.memory_space<hbm>>
    %dma_wait3A_459 = arith.constant 0 : i32
    %dma_wait3A_460 = tpu.memref_slice %arg9[%dma_wait3A_459] : memref<18976xf32, #tpu.memory_space<vmem>> -> memref<18976xf32, #tpu.memory_space<vmem>>
    tpu.wait_dma2 semaphore(%arg15 : memref<!tpu.dma_semaphore, #tpu.memory_space<semaphore_mem>>) src(%dma_wait3A_460 : memref<18976xf32, #tpu.memory_space<vmem>>) dst(%dma_wait3A_458 : memref<18976xf32, #tpu.memory_space<hbm>>)
    %parallel_loop3A_461 = arith.constant 0 : i32
    %parallel_loop3A_462 = arith.constant 1186 : i32
    %parallel_loop3A_463 = arith.constant 1 : i32
    scf.for %parallel_loop3A_638 = %parallel_loop3A_461 to %parallel_loop3A_462 step %parallel_loop3A_463  : i32 {
      %parallel_loop3A_639 = arith.constant 16 : i32
      %parallel_loop3A_640 = arith.muli %parallel_loop3A_638, %parallel_loop3A_639 : i32
      %parallel_loop3A_641 = arith.addi %parallel_loop3A_640, %select_n3A_147 : i32
      %parallel_loop3A_642 = arith.index_cast %parallel_loop3A_641 : i32 to index
      %parallel_loop3A_643 = tpu.vector_load %arg6[%parallel_loop3A_642] {strides = array<i32>} : memref<18984xf32, #tpu.memory_space<vmem>>, vector<16xf32>,
      %parallel_loop3A_644 = arith.constant 16 : i32
      %parallel_loop3A_645 = arith.muli %parallel_loop3A_638, %parallel_loop3A_644 : i32
      %parallel_loop3A_646 = arith.index_cast %parallel_loop3A_645 : i32 to index
      %parallel_loop3A_647 = tpu.vector_load %arg9[%parallel_loop3A_646] {strides = array<i32>} : memref<18976xf32, #tpu.memory_space<vmem>>, vector<16xf32>,
      tpu.vector_store %arg9[%parallel_loop3A_646], %parallel_loop3A_643 {strides = array<i32>} : memref<18976xf32, #tpu.memory_space<vmem>>, vector<16xf32>,
    } {sc.loop_unroll_factor = 8 : i64, sc.parallel_access}
    %dma_start3A_464 = arith.constant 0 : i32
    %dma_start3A_465 = tpu.memref_slice %arg9[%dma_start3A_464] : memref<18976xf32, #tpu.memory_space<vmem>> -> memref<18976xf32, #tpu.memory_space<vmem>>
    %dma_start3A_466 = tpu.memref_slice %arg4[%multiple_of3A_166] : memref<9715712xf32, #tpu.memory_space<hbm>> -> memref<18976xf32, #tpu.memory_space<hbm>>
    %dma_start3A_467 = tpu.memref_slice %arg4[%multiple_of3A_166] : memref<9715712xf32, #tpu.memory_space<hbm>> -> memref<18976xf32, #tpu.memory_space<hbm>>
    %dma_start3A_468 = arith.constant 0 : i32
    %dma_start3A_469 = tpu.memref_slice %arg9[%dma_start3A_468] : memref<18976xf32, #tpu.memory_space<vmem>> -> memref<18976xf32, #tpu.memory_space<vmem>>
    tpu.enqueue_dma source(%dma_start3A_469 : memref<18976xf32, #tpu.memory_space<vmem>>) target(%dma_start3A_467 : memref<18976xf32, #tpu.memory_space<hbm>>) target_semaphore(%arg15 : memref<!tpu.dma_semaphore, #tpu.memory_space<semaphore_mem>>)
    %dma_start3A_470 = arith.constant 0 : i32
    %dma_start3A_471 = tpu.memref_slice %arg6[%dma_start3A_470] : memref<18984xf32, #tpu.memory_space<vmem>> -> memref<18984xf32, #tpu.memory_space<vmem>>
    %dma_start3A_472 = tpu.memref_slice %arg2[%add3A_182] : memref<20480000xf32, #tpu.memory_space<hbm>> -> memref<18984xf32, #tpu.memory_space<hbm>>
    %dma_start3A_473 = arith.constant 0 : i32
    %dma_start3A_474 = tpu.memref_slice %arg6[%dma_start3A_473] : memref<18984xf32, #tpu.memory_space<vmem>> -> memref<18984xf32, #tpu.memory_space<vmem>>
    %dma_start3A_475 = tpu.memref_slice %arg2[%add3A_182] : memref<20480000xf32, #tpu.memory_space<hbm>> -> memref<18984xf32, #tpu.memory_space<hbm>>
    tpu.enqueue_dma source(%dma_start3A_475 : memref<18984xf32, #tpu.memory_space<hbm>>) target(%dma_start3A_474 : memref<18984xf32, #tpu.memory_space<vmem>>) target_semaphore(%arg12 : memref<!tpu.dma_semaphore, #tpu.memory_space<semaphore_mem>>)
    %dma_wait3A_476 = arith.constant 0 : i32
    %dma_wait3A_477 = tpu.memref_slice %arg7[%dma_wait3A_476] : memref<18984xf32, #tpu.memory_space<vmem>> -> memref<18984xf32, #tpu.memory_space<vmem>>
    %dma_wait3A_478 = tpu.memref_slice %arg2[%add3A_168] : memref<20480000xf32, #tpu.memory_space<hbm>> -> memref<18984xf32, #tpu.memory_space<hbm>>
    %dma_wait3A_479 = arith.constant 0 : i32
    %dma_wait3A_480 = tpu.memref_slice %arg7[%dma_wait3A_479] : memref<18984xf32, #tpu.memory_space<vmem>> -> memref<18984xf32, #tpu.memory_space<vmem>>
    %dma_wait3A_481 = tpu.memref_slice %arg2[%add3A_168] : memref<20480000xf32, #tpu.memory_space<hbm>> -> memref<18984xf32, #tpu.memory_space<hbm>>
    tpu.wait_dma2 semaphore(%arg13 : memref<!tpu.dma_semaphore, #tpu.memory_space<semaphore_mem>>) src(%dma_wait3A_481 : memref<18984xf32, #tpu.memory_space<hbm>>) dst(%dma_wait3A_480 : memref<18984xf32, #tpu.memory_space<vmem>>)
    %dma_wait3A_482 = arith.constant 0 : i32
    %dma_wait3A_483 = tpu.memref_slice %arg10[%dma_wait3A_482] : memref<18976xf32, #tpu.memory_space<vmem>> -> memref<18976xf32, #tpu.memory_space<vmem>>
    %dma_wait3A_484 = tpu.memref_slice %arg4[%multiple_of3A_125] : memref<9715712xf32, #tpu.memory_space<hbm>> -> memref<18976xf32, #tpu.memory_space<hbm>>
    %dma_wait3A_485 = tpu.memref_slice %arg4[%multiple_of3A_125] : memref<9715712xf32, #tpu.memory_space<hbm>> -> memref<18976xf32, #tpu.memory_space<hbm>>
    %dma_wait3A_486 = arith.constant 0 : i32
    %dma_wait3A_487 = tpu.memref_slice %arg10[%dma_wait3A_486] : memref<18976xf32, #tpu.memory_space<vmem>> -> memref<18976xf32, #tpu.memory_space<vmem>>
    tpu.wait_dma2 semaphore(%arg16 : memref<!tpu.dma_semaphore, #tpu.memory_space<semaphore_mem>>) src(%dma_wait3A_487 : memref<18976xf32, #tpu.memory_space<vmem>>) dst(%dma_wait3A_485 : memref<18976xf32, #tpu.memory_space<hbm>>)
    %parallel_loop3A_488 = arith.constant 0 : i32
    %parallel_loop3A_489 = arith.constant 1186 : i32
    %parallel_loop3A_490 = arith.constant 1 : i32
    scf.for %parallel_loop3A_638 = %parallel_loop3A_488 to %parallel_loop3A_489 step %parallel_loop3A_490  : i32 {
      %parallel_loop3A_639 = arith.constant 16 : i32
      %parallel_loop3A_640 = arith.muli %parallel_loop3A_638, %parallel_loop3A_639 : i32
      %parallel_loop3A_641 = arith.addi %parallel_loop3A_640, %select_n3A_147 : i32
      %parallel_loop3A_642 = arith.index_cast %parallel_loop3A_641 : i32 to index
      %parallel_loop3A_643 = tpu.vector_load %arg7[%parallel_loop3A_642] {strides = array<i32>} : memref<18984xf32, #tpu.memory_space<vmem>>, vector<16xf32>,
      %parallel_loop3A_644 = arith.constant 16 : i32
      %parallel_loop3A_645 = arith.muli %parallel_loop3A_638, %parallel_loop3A_644 : i32
      %parallel_loop3A_646 = arith.index_cast %parallel_loop3A_645 : i32 to index
      %parallel_loop3A_647 = tpu.vector_load %arg10[%parallel_loop3A_646] {strides = array<i32>} : memref<18976xf32, #tpu.memory_space<vmem>>, vector<16xf32>,
      tpu.vector_store %arg10[%parallel_loop3A_646], %parallel_loop3A_643 {strides = array<i32>} : memref<18976xf32, #tpu.memory_space<vmem>>, vector<16xf32>,
    } {sc.loop_unroll_factor = 8 : i64, sc.parallel_access}
    %dma_start3A_491 = arith.constant 0 : i32
    %dma_start3A_492 = tpu.memref_slice %arg10[%dma_start3A_491] : memref<18976xf32, #tpu.memory_space<vmem>> -> memref<18976xf32, #tpu.memory_space<vmem>>
    %dma_start3A_493 = tpu.memref_slice %arg4[%multiple_of3A_173] : memref<9715712xf32, #tpu.memory_space<hbm>> -> memref<18976xf32, #tpu.memory_space<hbm>>
    %dma_start3A_494 = tpu.memref_slice %arg4[%multiple_of3A_173] : memref<9715712xf32, #tpu.memory_space<hbm>> -> memref<18976xf32, #tpu.memory_space<hbm>>
    %dma_start3A_495 = arith.constant 0 : i32
    %dma_start3A_496 = tpu.memref_slice %arg10[%dma_start3A_495] : memref<18976xf32, #tpu.memory_space<vmem>> -> memref<18976xf32, #tpu.memory_space<vmem>>
    tpu.enqueue_dma source(%dma_start3A_496 : memref<18976xf32, #tpu.memory_space<vmem>>) target(%dma_start3A_494 : memref<18976xf32, #tpu.memory_space<hbm>>) target_semaphore(%arg16 : memref<!tpu.dma_semaphore, #tpu.memory_space<semaphore_mem>>)
    %dma_start3A_497 = arith.constant 0 : i32
    %dma_start3A_498 = tpu.memref_slice %arg7[%dma_start3A_497] : memref<18984xf32, #tpu.memory_space<vmem>> -> memref<18984xf32, #tpu.memory_space<vmem>>
    %dma_start3A_499 = tpu.memref_slice %arg2[%add3A_189] : memref<20480000xf32, #tpu.memory_space<hbm>> -> memref<18984xf32, #tpu.memory_space<hbm>>
    %dma_start3A_500 = arith.constant 0 : i32
    %dma_start3A_501 = tpu.memref_slice %arg7[%dma_start3A_500] : memref<18984xf32, #tpu.memory_space<vmem>> -> memref<18984xf32, #tpu.memory_space<vmem>>
    %dma_start3A_502 = tpu.memref_slice %arg2[%add3A_189] : memref<20480000xf32, #tpu.memory_space<hbm>> -> memref<18984xf32, #tpu.memory_space<hbm>>
    tpu.enqueue_dma source(%dma_start3A_502 : memref<18984xf32, #tpu.memory_space<hbm>>) target(%dma_start3A_501 : memref<18984xf32, #tpu.memory_space<vmem>>) target_semaphore(%arg13 : memref<!tpu.dma_semaphore, #tpu.memory_space<semaphore_mem>>)
    %dma_wait3A_503 = arith.constant 0 : i32
    %dma_wait3A_504 = tpu.memref_slice %arg8[%dma_wait3A_503] : memref<18984xf32, #tpu.memory_space<vmem>> -> memref<18984xf32, #tpu.memory_space<vmem>>
    %dma_wait3A_505 = tpu.memref_slice %arg2[%add3A_175] : memref<20480000xf32, #tpu.memory_space<hbm>> -> memref<18984xf32, #tpu.memory_space<hbm>>
    %dma_wait3A_506 = arith.constant 0 : i32
    %dma_wait3A_507 = tpu.memref_slice %arg8[%dma_wait3A_506] : memref<18984xf32, #tpu.memory_space<vmem>> -> memref<18984xf32, #tpu.memory_space<vmem>>
    %dma_wait3A_508 = tpu.memref_slice %arg2[%add3A_175] : memref<20480000xf32, #tpu.memory_space<hbm>> -> memref<18984xf32, #tpu.memory_space<hbm>>
    tpu.wait_dma2 semaphore(%arg14 : memref<!tpu.dma_semaphore, #tpu.memory_space<semaphore_mem>>) src(%dma_wait3A_508 : memref<18984xf32, #tpu.memory_space<hbm>>) dst(%dma_wait3A_507 : memref<18984xf32, #tpu.memory_space<vmem>>)
    %dma_wait3A_509 = arith.constant 0 : i32
    %dma_wait3A_510 = tpu.memref_slice %arg11[%dma_wait3A_509] : memref<18976xf32, #tpu.memory_space<vmem>> -> memref<18976xf32, #tpu.memory_space<vmem>>
    %dma_wait3A_511 = tpu.memref_slice %arg4[%multiple_of3A_159] : memref<9715712xf32, #tpu.memory_space<hbm>> -> memref<18976xf32, #tpu.memory_space<hbm>>
    %dma_wait3A_512 = tpu.memref_slice %arg4[%multiple_of3A_159] : memref<9715712xf32, #tpu.memory_space<hbm>> -> memref<18976xf32, #tpu.memory_space<hbm>>
    %dma_wait3A_513 = arith.constant 0 : i32
    %dma_wait3A_514 = tpu.memref_slice %arg11[%dma_wait3A_513] : memref<18976xf32, #tpu.memory_space<vmem>> -> memref<18976xf32, #tpu.memory_space<vmem>>
    tpu.wait_dma2 semaphore(%arg17 : memref<!tpu.dma_semaphore, #tpu.memory_space<semaphore_mem>>) src(%dma_wait3A_514 : memref<18976xf32, #tpu.memory_space<vmem>>) dst(%dma_wait3A_512 : memref<18976xf32, #tpu.memory_space<hbm>>)
    %parallel_loop3A_515 = arith.constant 0 : i32
    %parallel_loop3A_516 = arith.constant 1186 : i32
    %parallel_loop3A_517 = arith.constant 1 : i32
    scf.for %parallel_loop3A_638 = %parallel_loop3A_515 to %parallel_loop3A_516 step %parallel_loop3A_517  : i32 {
      %parallel_loop3A_639 = arith.constant 16 : i32
      %parallel_loop3A_640 = arith.muli %parallel_loop3A_638, %parallel_loop3A_639 : i32
      %parallel_loop3A_641 = arith.addi %parallel_loop3A_640, %select_n3A_147 : i32
      %parallel_loop3A_642 = arith.index_cast %parallel_loop3A_641 : i32 to index
      %parallel_loop3A_643 = tpu.vector_load %arg8[%parallel_loop3A_642] {strides = array<i32>} : memref<18984xf32, #tpu.memory_space<vmem>>, vector<16xf32>,
      %parallel_loop3A_644 = arith.constant 16 : i32
      %parallel_loop3A_645 = arith.muli %parallel_loop3A_638, %parallel_loop3A_644 : i32
      %parallel_loop3A_646 = arith.index_cast %parallel_loop3A_645 : i32 to index
      %parallel_loop3A_647 = tpu.vector_load %arg11[%parallel_loop3A_646] {strides = array<i32>} : memref<18976xf32, #tpu.memory_space<vmem>>, vector<16xf32>,
      tpu.vector_store %arg11[%parallel_loop3A_646], %parallel_loop3A_643 {strides = array<i32>} : memref<18976xf32, #tpu.memory_space<vmem>>, vector<16xf32>,
    } {sc.loop_unroll_factor = 8 : i64, sc.parallel_access}
    %dma_start3A_518 = arith.constant 0 : i32
    %dma_start3A_519 = tpu.memref_slice %arg11[%dma_start3A_518] : memref<18976xf32, #tpu.memory_space<vmem>> -> memref<18976xf32, #tpu.memory_space<vmem>>
    %dma_start3A_520 = tpu.memref_slice %arg4[%multiple_of3A_180] : memref<9715712xf32, #tpu.memory_space<hbm>> -> memref<18976xf32, #tpu.memory_space<hbm>>
    %dma_start3A_521 = tpu.memref_slice %arg4[%multiple_of3A_180] : memref<9715712xf32, #tpu.memory_space<hbm>> -> memref<18976xf32, #tpu.memory_space<hbm>>
    %dma_start3A_522 = arith.constant 0 : i32
    %dma_start3A_523 = tpu.memref_slice %arg11[%dma_start3A_522] : memref<18976xf32, #tpu.memory_space<vmem>> -> memref<18976xf32, #tpu.memory_space<vmem>>
    tpu.enqueue_dma source(%dma_start3A_523 : memref<18976xf32, #tpu.memory_space<vmem>>) target(%dma_start3A_521 : memref<18976xf32, #tpu.memory_space<hbm>>) target_semaphore(%arg17 : memref<!tpu.dma_semaphore, #tpu.memory_space<semaphore_mem>>)
    %dma_start3A_524 = arith.constant 0 : i32
    %dma_start3A_525 = tpu.memref_slice %arg8[%dma_start3A_524] : memref<18984xf32, #tpu.memory_space<vmem>> -> memref<18984xf32, #tpu.memory_space<vmem>>
    %dma_start3A_526 = tpu.memref_slice %arg2[%add3A_196] : memref<20480000xf32, #tpu.memory_space<hbm>> -> memref<18984xf32, #tpu.memory_space<hbm>>
    %dma_start3A_527 = arith.constant 0 : i32
    %dma_start3A_528 = tpu.memref_slice %arg8[%dma_start3A_527] : memref<18984xf32, #tpu.memory_space<vmem>> -> memref<18984xf32, #tpu.memory_space<vmem>>
    %dma_start3A_529 = tpu.memref_slice %arg2[%add3A_196] : memref<20480000xf32, #tpu.memory_space<hbm>> -> memref<18984xf32, #tpu.memory_space<hbm>>
    tpu.enqueue_dma source(%dma_start3A_529 : memref<18984xf32, #tpu.memory_space<hbm>>) target(%dma_start3A_528 : memref<18984xf32, #tpu.memory_space<vmem>>) target_semaphore(%arg14 : memref<!tpu.dma_semaphore, #tpu.memory_space<semaphore_mem>>)
    %dma_wait3A_530 = arith.constant 0 : i32
    %dma_wait3A_531 = tpu.memref_slice %arg6[%dma_wait3A_530] : memref<18984xf32, #tpu.memory_space<vmem>> -> memref<18984xf32, #tpu.memory_space<vmem>>
    %dma_wait3A_532 = tpu.memref_slice %arg2[%add3A_182] : memref<20480000xf32, #tpu.memory_space<hbm>> -> memref<18984xf32, #tpu.memory_space<hbm>>
    %dma_wait3A_533 = arith.constant 0 : i32
    %dma_wait3A_534 = tpu.memref_slice %arg6[%dma_wait3A_533] : memref<18984xf32, #tpu.memory_space<vmem>> -> memref<18984xf32, #tpu.memory_space<vmem>>
    %dma_wait3A_535 = tpu.memref_slice %arg2[%add3A_182] : memref<20480000xf32, #tpu.memory_space<hbm>> -> memref<18984xf32, #tpu.memory_space<hbm>>
    tpu.wait_dma2 semaphore(%arg12 : memref<!tpu.dma_semaphore, #tpu.memory_space<semaphore_mem>>) src(%dma_wait3A_535 : memref<18984xf32, #tpu.memory_space<hbm>>) dst(%dma_wait3A_534 : memref<18984xf32, #tpu.memory_space<vmem>>)
    %dma_wait3A_536 = arith.constant 0 : i32
    %dma_wait3A_537 = tpu.memref_slice %arg9[%dma_wait3A_536] : memref<18976xf32, #tpu.memory_space<vmem>> -> memref<18976xf32, #tpu.memory_space<vmem>>
    %dma_wait3A_538 = tpu.memref_slice %arg4[%multiple_of3A_166] : memref<9715712xf32, #tpu.memory_space<hbm>> -> memref<18976xf32, #tpu.memory_space<hbm>>
    %dma_wait3A_539 = tpu.memref_slice %arg4[%multiple_of3A_166] : memref<9715712xf32, #tpu.memory_space<hbm>> -> memref<18976xf32, #tpu.memory_space<hbm>>
    %dma_wait3A_540 = arith.constant 0 : i32
    %dma_wait3A_541 = tpu.memref_slice %arg9[%dma_wait3A_540] : memref<18976xf32, #tpu.memory_space<vmem>> -> memref<18976xf32, #tpu.memory_space<vmem>>
    tpu.wait_dma2 semaphore(%arg15 : memref<!tpu.dma_semaphore, #tpu.memory_space<semaphore_mem>>) src(%dma_wait3A_541 : memref<18976xf32, #tpu.memory_space<vmem>>) dst(%dma_wait3A_539 : memref<18976xf32, #tpu.memory_space<hbm>>)
    %parallel_loop3A_542 = arith.constant 0 : i32
    %parallel_loop3A_543 = arith.constant 1186 : i32
    %parallel_loop3A_544 = arith.constant 1 : i32
    scf.for %parallel_loop3A_638 = %parallel_loop3A_542 to %parallel_loop3A_543 step %parallel_loop3A_544  : i32 {
      %parallel_loop3A_639 = arith.constant 16 : i32
      %parallel_loop3A_640 = arith.muli %parallel_loop3A_638, %parallel_loop3A_639 : i32
      %parallel_loop3A_641 = arith.addi %parallel_loop3A_640, %select_n3A_147 : i32
      %parallel_loop3A_642 = arith.index_cast %parallel_loop3A_641 : i32 to index
      %parallel_loop3A_643 = tpu.vector_load %arg6[%parallel_loop3A_642] {strides = array<i32>} : memref<18984xf32, #tpu.memory_space<vmem>>, vector<16xf32>,
      %parallel_loop3A_644 = arith.constant 16 : i32
      %parallel_loop3A_645 = arith.muli %parallel_loop3A_638, %parallel_loop3A_644 : i32
      %parallel_loop3A_646 = arith.index_cast %parallel_loop3A_645 : i32 to index
      %parallel_loop3A_647 = tpu.vector_load %arg9[%parallel_loop3A_646] {strides = array<i32>} : memref<18976xf32, #tpu.memory_space<vmem>>, vector<16xf32>,
      tpu.vector_store %arg9[%parallel_loop3A_646], %parallel_loop3A_643 {strides = array<i32>} : memref<18976xf32, #tpu.memory_space<vmem>>, vector<16xf32>,
    } {sc.loop_unroll_factor = 8 : i64, sc.parallel_access}
    %dma_start3A_545 = arith.constant 0 : i32
    %dma_start3A_546 = tpu.memref_slice %arg9[%dma_start3A_545] : memref<18976xf32, #tpu.memory_space<vmem>> -> memref<18976xf32, #tpu.memory_space<vmem>>
    %dma_start3A_547 = tpu.memref_slice %arg4[%multiple_of3A_187] : memref<9715712xf32, #tpu.memory_space<hbm>> -> memref<18976xf32, #tpu.memory_space<hbm>>
    %dma_start3A_548 = tpu.memref_slice %arg4[%multiple_of3A_187] : memref<9715712xf32, #tpu.memory_space<hbm>> -> memref<18976xf32, #tpu.memory_space<hbm>>
    %dma_start3A_549 = arith.constant 0 : i32
    %dma_start3A_550 = tpu.memref_slice %arg9[%dma_start3A_549] : memref<18976xf32, #tpu.memory_space<vmem>> -> memref<18976xf32, #tpu.memory_space<vmem>>
    tpu.enqueue_dma source(%dma_start3A_550 : memref<18976xf32, #tpu.memory_space<vmem>>) target(%dma_start3A_548 : memref<18976xf32, #tpu.memory_space<hbm>>) target_semaphore(%arg15 : memref<!tpu.dma_semaphore, #tpu.memory_space<semaphore_mem>>)
    %dma_start3A_551 = arith.constant 0 : i32
    %dma_start3A_552 = tpu.memref_slice %arg6[%dma_start3A_551] : memref<18984xf32, #tpu.memory_space<vmem>> -> memref<18984xf32, #tpu.memory_space<vmem>>
    %dma_start3A_553 = tpu.memref_slice %arg2[%add3A_203] : memref<20480000xf32, #tpu.memory_space<hbm>> -> memref<18984xf32, #tpu.memory_space<hbm>>
    %dma_start3A_554 = arith.constant 0 : i32
    %dma_start3A_555 = tpu.memref_slice %arg6[%dma_start3A_554] : memref<18984xf32, #tpu.memory_space<vmem>> -> memref<18984xf32, #tpu.memory_space<vmem>>
    %dma_start3A_556 = tpu.memref_slice %arg2[%add3A_203] : memref<20480000xf32, #tpu.memory_space<hbm>> -> memref<18984xf32, #tpu.memory_space<hbm>>
    tpu.enqueue_dma source(%dma_start3A_556 : memref<18984xf32, #tpu.memory_space<hbm>>) target(%dma_start3A_555 : memref<18984xf32, #tpu.memory_space<vmem>>) target_semaphore(%arg12 : memref<!tpu.dma_semaphore, #tpu.memory_space<semaphore_mem>>)
    %dma_wait3A_557 = arith.constant 0 : i32
    %dma_wait3A_558 = tpu.memref_slice %arg7[%dma_wait3A_557] : memref<18984xf32, #tpu.memory_space<vmem>> -> memref<18984xf32, #tpu.memory_space<vmem>>
    %dma_wait3A_559 = tpu.memref_slice %arg2[%add3A_189] : memref<20480000xf32, #tpu.memory_space<hbm>> -> memref<18984xf32, #tpu.memory_space<hbm>>
    %dma_wait3A_560 = arith.constant 0 : i32
    %dma_wait3A_561 = tpu.memref_slice %arg7[%dma_wait3A_560] : memref<18984xf32, #tpu.memory_space<vmem>> -> memref<18984xf32, #tpu.memory_space<vmem>>
    %dma_wait3A_562 = tpu.memref_slice %arg2[%add3A_189] : memref<20480000xf32, #tpu.memory_space<hbm>> -> memref<18984xf32, #tpu.memory_space<hbm>>
    tpu.wait_dma2 semaphore(%arg13 : memref<!tpu.dma_semaphore, #tpu.memory_space<semaphore_mem>>) src(%dma_wait3A_562 : memref<18984xf32, #tpu.memory_space<hbm>>) dst(%dma_wait3A_561 : memref<18984xf32, #tpu.memory_space<vmem>>)
    %dma_wait3A_563 = arith.constant 0 : i32
    %dma_wait3A_564 = tpu.memref_slice %arg10[%dma_wait3A_563] : memref<18976xf32, #tpu.memory_space<vmem>> -> memref<18976xf32, #tpu.memory_space<vmem>>
    %dma_wait3A_565 = tpu.memref_slice %arg4[%multiple_of3A_173] : memref<9715712xf32, #tpu.memory_space<hbm>> -> memref<18976xf32, #tpu.memory_space<hbm>>
    %dma_wait3A_566 = tpu.memref_slice %arg4[%multiple_of3A_173] : memref<9715712xf32, #tpu.memory_space<hbm>> -> memref<18976xf32, #tpu.memory_space<hbm>>
    %dma_wait3A_567 = arith.constant 0 : i32
    %dma_wait3A_568 = tpu.memref_slice %arg10[%dma_wait3A_567] : memref<18976xf32, #tpu.memory_space<vmem>> -> memref<18976xf32, #tpu.memory_space<vmem>>
    tpu.wait_dma2 semaphore(%arg16 : memref<!tpu.dma_semaphore, #tpu.memory_space<semaphore_mem>>) src(%dma_wait3A_568 : memref<18976xf32, #tpu.memory_space<vmem>>) dst(%dma_wait3A_566 : memref<18976xf32, #tpu.memory_space<hbm>>)
    %parallel_loop3A_569 = arith.constant 0 : i32
    %parallel_loop3A_570 = arith.constant 1186 : i32
    %parallel_loop3A_571 = arith.constant 1 : i32
    scf.for %parallel_loop3A_638 = %parallel_loop3A_569 to %parallel_loop3A_570 step %parallel_loop3A_571  : i32 {
      %parallel_loop3A_639 = arith.constant 16 : i32
      %parallel_loop3A_640 = arith.muli %parallel_loop3A_638, %parallel_loop3A_639 : i32
      %parallel_loop3A_641 = arith.addi %parallel_loop3A_640, %select_n3A_147 : i32
      %parallel_loop3A_642 = arith.index_cast %parallel_loop3A_641 : i32 to index
      %parallel_loop3A_643 = tpu.vector_load %arg7[%parallel_loop3A_642] {strides = array<i32>} : memref<18984xf32, #tpu.memory_space<vmem>>, vector<16xf32>,
      %parallel_loop3A_644 = arith.constant 16 : i32
      %parallel_loop3A_645 = arith.muli %parallel_loop3A_638, %parallel_loop3A_644 : i32
      %parallel_loop3A_646 = arith.index_cast %parallel_loop3A_645 : i32 to index
      %parallel_loop3A_647 = tpu.vector_load %arg10[%parallel_loop3A_646] {strides = array<i32>} : memref<18976xf32, #tpu.memory_space<vmem>>, vector<16xf32>,
      tpu.vector_store %arg10[%parallel_loop3A_646], %parallel_loop3A_643 {strides = array<i32>} : memref<18976xf32, #tpu.memory_space<vmem>>, vector<16xf32>,
    } {sc.loop_unroll_factor = 8 : i64, sc.parallel_access}
    %dma_start3A_572 = arith.constant 0 : i32
    %dma_start3A_573 = tpu.memref_slice %arg10[%dma_start3A_572] : memref<18976xf32, #tpu.memory_space<vmem>> -> memref<18976xf32, #tpu.memory_space<vmem>>
    %dma_start3A_574 = tpu.memref_slice %arg4[%multiple_of3A_194] : memref<9715712xf32, #tpu.memory_space<hbm>> -> memref<18976xf32, #tpu.memory_space<hbm>>
    %dma_start3A_575 = tpu.memref_slice %arg4[%multiple_of3A_194] : memref<9715712xf32, #tpu.memory_space<hbm>> -> memref<18976xf32, #tpu.memory_space<hbm>>
    %dma_start3A_576 = arith.constant 0 : i32
    %dma_start3A_577 = tpu.memref_slice %arg10[%dma_start3A_576] : memref<18976xf32, #tpu.memory_space<vmem>> -> memref<18976xf32, #tpu.memory_space<vmem>>
    tpu.enqueue_dma source(%dma_start3A_577 : memref<18976xf32, #tpu.memory_space<vmem>>) target(%dma_start3A_575 : memref<18976xf32, #tpu.memory_space<hbm>>) target_semaphore(%arg16 : memref<!tpu.dma_semaphore, #tpu.memory_space<semaphore_mem>>)
    %dma_wait3A_578 = arith.constant 0 : i32
    %dma_wait3A_579 = tpu.memref_slice %arg8[%dma_wait3A_578] : memref<18984xf32, #tpu.memory_space<vmem>> -> memref<18984xf32, #tpu.memory_space<vmem>>
    %dma_wait3A_580 = tpu.memref_slice %arg2[%add3A_196] : memref<20480000xf32, #tpu.memory_space<hbm>> -> memref<18984xf32, #tpu.memory_space<hbm>>
    %dma_wait3A_581 = arith.constant 0 : i32
    %dma_wait3A_582 = tpu.memref_slice %arg8[%dma_wait3A_581] : memref<18984xf32, #tpu.memory_space<vmem>> -> memref<18984xf32, #tpu.memory_space<vmem>>
    %dma_wait3A_583 = tpu.memref_slice %arg2[%add3A_196] : memref<20480000xf32, #tpu.memory_space<hbm>> -> memref<18984xf32, #tpu.memory_space<hbm>>
    tpu.wait_dma2 semaphore(%arg14 : memref<!tpu.dma_semaphore, #tpu.memory_space<semaphore_mem>>) src(%dma_wait3A_583 : memref<18984xf32, #tpu.memory_space<hbm>>) dst(%dma_wait3A_582 : memref<18984xf32, #tpu.memory_space<vmem>>)
    %dma_wait3A_584 = arith.constant 0 : i32
    %dma_wait3A_585 = tpu.memref_slice %arg11[%dma_wait3A_584] : memref<18976xf32, #tpu.memory_space<vmem>> -> memref<18976xf32, #tpu.memory_space<vmem>>
    %dma_wait3A_586 = tpu.memref_slice %arg4[%multiple_of3A_180] : memref<9715712xf32, #tpu.memory_space<hbm>> -> memref<18976xf32, #tpu.memory_space<hbm>>
    %dma_wait3A_587 = tpu.memref_slice %arg4[%multiple_of3A_180] : memref<9715712xf32, #tpu.memory_space<hbm>> -> memref<18976xf32, #tpu.memory_space<hbm>>
    %dma_wait3A_588 = arith.constant 0 : i32
    %dma_wait3A_589 = tpu.memref_slice %arg11[%dma_wait3A_588] : memref<18976xf32, #tpu.memory_space<vmem>> -> memref<18976xf32, #tpu.memory_space<vmem>>
    tpu.wait_dma2 semaphore(%arg17 : memref<!tpu.dma_semaphore, #tpu.memory_space<semaphore_mem>>) src(%dma_wait3A_589 : memref<18976xf32, #tpu.memory_space<vmem>>) dst(%dma_wait3A_587 : memref<18976xf32, #tpu.memory_space<hbm>>)
    %parallel_loop3A_590 = arith.constant 0 : i32
    %parallel_loop3A_591 = arith.constant 1186 : i32
    %parallel_loop3A_592 = arith.constant 1 : i32
    scf.for %parallel_loop3A_638 = %parallel_loop3A_590 to %parallel_loop3A_591 step %parallel_loop3A_592  : i32 {
      %parallel_loop3A_639 = arith.constant 16 : i32
      %parallel_loop3A_640 = arith.muli %parallel_loop3A_638, %parallel_loop3A_639 : i32
      %parallel_loop3A_641 = arith.addi %parallel_loop3A_640, %select_n3A_147 : i32
      %parallel_loop3A_642 = arith.index_cast %parallel_loop3A_641 : i32 to index
      %parallel_loop3A_643 = tpu.vector_load %arg8[%parallel_loop3A_642] {strides = array<i32>} : memref<18984xf32, #tpu.memory_space<vmem>>, vector<16xf32>,
      %parallel_loop3A_644 = arith.constant 16 : i32
      %parallel_loop3A_645 = arith.muli %parallel_loop3A_638, %parallel_loop3A_644 : i32
      %parallel_loop3A_646 = arith.index_cast %parallel_loop3A_645 : i32 to index
      %parallel_loop3A_647 = tpu.vector_load %arg11[%parallel_loop3A_646] {strides = array<i32>} : memref<18976xf32, #tpu.memory_space<vmem>>, vector<16xf32>,
      tpu.vector_store %arg11[%parallel_loop3A_646], %parallel_loop3A_643 {strides = array<i32>} : memref<18976xf32, #tpu.memory_space<vmem>>, vector<16xf32>,
    } {sc.loop_unroll_factor = 8 : i64, sc.parallel_access}
    %dma_start3A_593 = arith.constant 0 : i32
    %dma_start3A_594 = tpu.memref_slice %arg11[%dma_start3A_593] : memref<18976xf32, #tpu.memory_space<vmem>> -> memref<18976xf32, #tpu.memory_space<vmem>>
    %dma_start3A_595 = tpu.memref_slice %arg4[%multiple_of3A_201] : memref<9715712xf32, #tpu.memory_space<hbm>> -> memref<18976xf32, #tpu.memory_space<hbm>>
    %dma_start3A_596 = tpu.memref_slice %arg4[%multiple_of3A_201] : memref<9715712xf32, #tpu.memory_space<hbm>> -> memref<18976xf32, #tpu.memory_space<hbm>>
    %dma_start3A_597 = arith.constant 0 : i32
    %dma_start3A_598 = tpu.memref_slice %arg11[%dma_start3A_597] : memref<18976xf32, #tpu.memory_space<vmem>> -> memref<18976xf32, #tpu.memory_space<vmem>>
    tpu.enqueue_dma source(%dma_start3A_598 : memref<18976xf32, #tpu.memory_space<vmem>>) target(%dma_start3A_596 : memref<18976xf32, #tpu.memory_space<hbm>>) target_semaphore(%arg17 : memref<!tpu.dma_semaphore, #tpu.memory_space<semaphore_mem>>)
    %dma_wait3A_599 = arith.constant 0 : i32
    %dma_wait3A_600 = tpu.memref_slice %arg6[%dma_wait3A_599] : memref<18984xf32, #tpu.memory_space<vmem>> -> memref<18984xf32, #tpu.memory_space<vmem>>
    %dma_wait3A_601 = tpu.memref_slice %arg2[%add3A_203] : memref<20480000xf32, #tpu.memory_space<hbm>> -> memref<18984xf32, #tpu.memory_space<hbm>>
    %dma_wait3A_602 = arith.constant 0 : i32
    %dma_wait3A_603 = tpu.memref_slice %arg6[%dma_wait3A_602] : memref<18984xf32, #tpu.memory_space<vmem>> -> memref<18984xf32, #tpu.memory_space<vmem>>
    %dma_wait3A_604 = tpu.memref_slice %arg2[%add3A_203] : memref<20480000xf32, #tpu.memory_space<hbm>> -> memref<18984xf32, #tpu.memory_space<hbm>>
    tpu.wait_dma2 semaphore(%arg12 : memref<!tpu.dma_semaphore, #tpu.memory_space<semaphore_mem>>) src(%dma_wait3A_604 : memref<18984xf32, #tpu.memory_space<hbm>>) dst(%dma_wait3A_603 : memref<18984xf32, #tpu.memory_space<vmem>>)
    %dma_wait3A_605 = arith.constant 0 : i32
    %dma_wait3A_606 = tpu.memref_slice %arg9[%dma_wait3A_605] : memref<18976xf32, #tpu.memory_space<vmem>> -> memref<18976xf32, #tpu.memory_space<vmem>>
    %dma_wait3A_607 = tpu.memref_slice %arg4[%multiple_of3A_187] : memref<9715712xf32, #tpu.memory_space<hbm>> -> memref<18976xf32, #tpu.memory_space<hbm>>
    %dma_wait3A_608 = tpu.memref_slice %arg4[%multiple_of3A_187] : memref<9715712xf32, #tpu.memory_space<hbm>> -> memref<18976xf32, #tpu.memory_space<hbm>>
    %dma_wait3A_609 = arith.constant 0 : i32
    %dma_wait3A_610 = tpu.memref_slice %arg9[%dma_wait3A_609] : memref<18976xf32, #tpu.memory_space<vmem>> -> memref<18976xf32, #tpu.memory_space<vmem>>
    tpu.wait_dma2 semaphore(%arg15 : memref<!tpu.dma_semaphore, #tpu.memory_space<semaphore_mem>>) src(%dma_wait3A_610 : memref<18976xf32, #tpu.memory_space<vmem>>) dst(%dma_wait3A_608 : memref<18976xf32, #tpu.memory_space<hbm>>)
    %parallel_loop3A_611 = arith.constant 0 : i32
    %parallel_loop3A_612 = arith.constant 1186 : i32
    %parallel_loop3A_613 = arith.constant 1 : i32
    scf.for %parallel_loop3A_638 = %parallel_loop3A_611 to %parallel_loop3A_612 step %parallel_loop3A_613  : i32 {
      %parallel_loop3A_639 = arith.constant 16 : i32
      %parallel_loop3A_640 = arith.muli %parallel_loop3A_638, %parallel_loop3A_639 : i32
      %parallel_loop3A_641 = arith.addi %parallel_loop3A_640, %select_n3A_147 : i32
      %parallel_loop3A_642 = arith.index_cast %parallel_loop3A_641 : i32 to index
      %parallel_loop3A_643 = tpu.vector_load %arg6[%parallel_loop3A_642] {strides = array<i32>} : memref<18984xf32, #tpu.memory_space<vmem>>, vector<16xf32>,
      %parallel_loop3A_644 = arith.constant 16 : i32
      %parallel_loop3A_645 = arith.muli %parallel_loop3A_638, %parallel_loop3A_644 : i32
      %parallel_loop3A_646 = arith.index_cast %parallel_loop3A_645 : i32 to index
      %parallel_loop3A_647 = tpu.vector_load %arg9[%parallel_loop3A_646] {strides = array<i32>} : memref<18976xf32, #tpu.memory_space<vmem>>, vector<16xf32>,
      tpu.vector_store %arg9[%parallel_loop3A_646], %parallel_loop3A_643 {strides = array<i32>} : memref<18976xf32, #tpu.memory_space<vmem>>, vector<16xf32>,
    } {sc.loop_unroll_factor = 8 : i64, sc.parallel_access}
    %dma_start3A_614 = arith.constant 0 : i32
    %dma_start3A_615 = tpu.memref_slice %arg9[%dma_start3A_614] : memref<18976xf32, #tpu.memory_space<vmem>> -> memref<18976xf32, #tpu.memory_space<vmem>>
    %dma_start3A_616 = tpu.memref_slice %arg4[%multiple_of3A_208] : memref<9715712xf32, #tpu.memory_space<hbm>> -> memref<18976xf32, #tpu.memory_space<hbm>>
    %dma_start3A_617 = tpu.memref_slice %arg4[%multiple_of3A_208] : memref<9715712xf32, #tpu.memory_space<hbm>> -> memref<18976xf32, #tpu.memory_space<hbm>>
    %dma_start3A_618 = arith.constant 0 : i32
    %dma_start3A_619 = tpu.memref_slice %arg9[%dma_start3A_618] : memref<18976xf32, #tpu.memory_space<vmem>> -> memref<18976xf32, #tpu.memory_space<vmem>>
    tpu.enqueue_dma source(%dma_start3A_619 : memref<18976xf32, #tpu.memory_space<vmem>>) target(%dma_start3A_617 : memref<18976xf32, #tpu.memory_space<hbm>>) target_semaphore(%arg15 : memref<!tpu.dma_semaphore, #tpu.memory_space<semaphore_mem>>)
    %dma_wait3A_620 = arith.constant 0 : i32
    %dma_wait3A_621 = tpu.memref_slice %arg10[%dma_wait3A_620] : memref<18976xf32, #tpu.memory_space<vmem>> -> memref<18976xf32, #tpu.memory_space<vmem>>
    %dma_wait3A_622 = tpu.memref_slice %arg4[%multiple_of3A_194] : memref<9715712xf32, #tpu.memory_space<hbm>> -> memref<18976xf32, #tpu.memory_space<hbm>>
    %dma_wait3A_623 = tpu.memref_slice %arg4[%multiple_of3A_194] : memref<9715712xf32, #tpu.memory_space<hbm>> -> memref<18976xf32, #tpu.memory_space<hbm>>
    %dma_wait3A_624 = arith.constant 0 : i32
    %dma_wait3A_625 = tpu.memref_slice %arg10[%dma_wait3A_624] : memref<18976xf32, #tpu.memory_space<vmem>> -> memref<18976xf32, #tpu.memory_space<vmem>>
    tpu.wait_dma2 semaphore(%arg16 : memref<!tpu.dma_semaphore, #tpu.memory_space<semaphore_mem>>) src(%dma_wait3A_625 : memref<18976xf32, #tpu.memory_space<vmem>>) dst(%dma_wait3A_623 : memref<18976xf32, #tpu.memory_space<hbm>>)
    %dma_wait3A_626 = arith.constant 0 : i32
    %dma_wait3A_627 = tpu.memref_slice %arg11[%dma_wait3A_626] : memref<18976xf32, #tpu.memory_space<vmem>> -> memref<18976xf32, #tpu.memory_space<vmem>>
    %dma_wait3A_628 = tpu.memref_slice %arg4[%multiple_of3A_201] : memref<9715712xf32, #tpu.memory_space<hbm>> -> memref<18976xf32, #tpu.memory_space<hbm>>
    %dma_wait3A_629 = tpu.memref_slice %arg4[%multiple_of3A_201] : memref<9715712xf32, #tpu.memory_space<hbm>> -> memref<18976xf32, #tpu.memory_space<hbm>>
    %dma_wait3A_630 = arith.constant 0 : i32
    %dma_wait3A_631 = tpu.memref_slice %arg11[%dma_wait3A_630] : memref<18976xf32, #tpu.memory_space<vmem>> -> memref<18976xf32, #tpu.memory_space<vmem>>
    tpu.wait_dma2 semaphore(%arg17 : memref<!tpu.dma_semaphore, #tpu.memory_space<semaphore_mem>>) src(%dma_wait3A_631 : memref<18976xf32, #tpu.memory_space<vmem>>) dst(%dma_wait3A_629 : memref<18976xf32, #tpu.memory_space<hbm>>)
    %dma_wait3A_632 = arith.constant 0 : i32
    %dma_wait3A_633 = tpu.memref_slice %arg9[%dma_wait3A_632] : memref<18976xf32, #tpu.memory_space<vmem>> -> memref<18976xf32, #tpu.memory_space<vmem>>
    %dma_wait3A_634 = tpu.memref_slice %arg4[%multiple_of3A_208] : memref<9715712xf32, #tpu.memory_space<hbm>> -> memref<18976xf32, #tpu.memory_space<hbm>>
    %dma_wait3A_635 = tpu.memref_slice %arg4[%multiple_of3A_208] : memref<9715712xf32, #tpu.memory_space<hbm>> -> memref<18976xf32, #tpu.memory_space<hbm>>
    %dma_wait3A_636 = arith.constant 0 : i32
    %dma_wait3A_637 = tpu.memref_slice %arg9[%dma_wait3A_636] : memref<18976xf32, #tpu.memory_space<vmem>> -> memref<18976xf32, #tpu.memory_space<vmem>>
    tpu.wait_dma2 semaphore(%arg15 : memref<!tpu.dma_semaphore, #tpu.memory_space<semaphore_mem>>) src(%dma_wait3A_637 : memref<18976xf32, #tpu.memory_space<vmem>>) dst(%dma_wait3A_635 : memref<18976xf32, #tpu.memory_space<hbm>>)
    return
  }
}

</mosaic_0001>

<sc_bundles>
// kernel: kernel.3.cloned.1.call-start
scs
__scs_entry_jumppad:
0x0: {  	(pc) =	sbr.rel $0x88, $3  }
0x1: {  	(tag) =	ssettag $0x0;
	lr =	simm.s32 $0x1  }
0x2: {  	[smem:$0x3F9F] =	sst lr;
	_ =	strace $0xD0000000  }
0x3: {  	_ = 	snop  }
0x4: {  	_ = 	snop  }
0x5: {  	_ = 	snop  }
0x6: {  	_ = 	snop  }
0x7: {  	_ = 	snop  }
__scs_overlays_trampoline_lowered:
0x8: {  	[smem:$0x3FAE] =	sst s0  }
0x9: {  	[smem:$0x3FAF] =	sst s1  }
0xa: {  	[smem:$0x3FB0] =	sst s2  }
0xb: {  	[smem:$0x3FB1] =	sst s3  }
0xc: {  	[smem:$0x3FB2] =	sst s4  }
0xd: {  	[smem:$0x3FB3] =	sst s5  }
0xe: {  	[smem:$0x3FB4] =	sst s6  }
0xf: {  	[smem:$0x3FB5] =	sst s7  }
0x10: {  	[smem:$0x3FB6] =	sst s8  }
0x11: {  	[smem:$0x3FB7] =	sst s9;
	s0 =	simm.s32 @!p0 $0x0  }
0x12: {  	s1 =	sld [smem:$0x3F9D];
	s0 =	simm.s32 @p0 $0x1  }
0x13: {  	[smem:$0x3FB8] =	sst s0;
	s0 =	simm.s32 @!p1 $0x0  }
0x14: {  	s2 =	sld [smem:$0x3F9C];
	s0 =	simm.s32 @p1 $0x1  }
0x15: {  	[smem:$0x3FB9] =	sst s0;
	s0 =	simm.s32 @!p2 $0x0  }
0x16: {  	s3 =	sld [smem:$0x3FDB];
	s0 =	simm.s32 @p2 $0x1  }
0x17: {  	s4 =	simm.s32 $0x1BF5;
	[smem:$0x3FBB] =	sst s0  }
0x18: {  	s0 =	sld [smem:$0x3F9E];
	_ =	swait.ge [sflag:s4], $0x0  }
0x19: {  	s7 =	sld [smem:$0x3F9F]  }
0x1a: {  	s8 =	sadd.s32 $0xFFFFE003, lr  }
0x1b: {  	s9 =	sadd.s32 $0xFFFFFEF7, lr;
	s5 =	simm.s32 $0xFFFFFFFF;
	p2 =	slt.u32 s8, $0xFFFFF086  }
0x1c: {  	p1 =	slt.u32 s9, $0xF7A;
	s5 =	simm.s32 @!p2 $0x0  }
0x1d: {  	s5 =	simm.s32 @p1 $0x1;
	p0 =	seq.s32 s7, s2  }
0x1e: {  	s7 =	smul.u32 @!p0 $0xF7A, s2;
	p2 =	seq.s32 @!p0 s5, $0x0  }
0x1f: {  	s9 =	smul.u32 $0xF7A, s1;
	s8 =	simm.s32 @!p0 $0x1BF5;
	p2 =	por !p2, p0  }
0x20: {  	[sflag:s8] =	ssyncset.s32 @!p0 $0xFFFFF086;
	s6 =	sadd.s32 @!p0 s3, s7;
	s7 =	simm.s32 @!p0 $0x108  }
0x21: {  	s3 =	sadd.s32 s3, s9;
	s6 =	sadd.s32 @!p0 $0x88, s6;
	s7 =	simm.s32 @p2 $0x1082  }
0x22: {  	[simem:s7], [sflag:s8] =	dma.local @!p0 [hbm:s6], $0xF7A  }
0x23: {  	s9 =	sor.u32 $0xD0000000, s2;
	s6 =	simm.s32 $0x108;
	_ =	swait.ge @!p0 [sflag:s8], $0x0  }
0x24: {  	s3 =	sadd.s32 $0x88, s3;
	s6 =	simm.s32 @!p1 $0x1082;
	[sflag:s4] =	ssyncset.s32 $0xFFFFF086  }
0x25: {  	[simem:s6], [sflag:s4] =	dma.local [hbm:s3], $0xF7A  }
0x26: {  	[smem:$0x3F9F] =	sst s1;
	(tag) =	ssettag s2;
	_ =	strace s9  }
0x27: {  	s1 =	sld [smem:$0x3FAF]  }
0x28: {  	s2 =	sld [smem:$0x3FB0]  }
0x29: {  	s4 =	sld [smem:$0x3FB2]  }
0x2a: {  	p0 =	seq.s32 s5, $0x0;
	s5 =	sld [smem:$0x3FB3]  }
0x2b: {  	s6 =	sld [smem:$0x3FB4]  }
0x2c: {  	s7 =	sld [smem:$0x3FB5]  }
0x2d: {  	s3 =	simm.s32 $0x108;
	s8 =	sld [smem:$0x3FB6]  }
0x2e: {  	s3 =	simm.s32 @!p0 $0x1082;
	s9 =	sld [smem:$0x3FB7]  }
0x2f: {  	lr =	sadd.s32 s0, s3;
	s0 =	sld [smem:$0x3FAE]  }
0x30: {  	s3 =	sld [smem:$0x3FB1]  }
0x31: {  	[smem:$0x3FBA] =	sst s10  }
0x32: {  	s10 =	sld [smem:$0x3FB8];
	_ =	sdelay $0x3  }
0x33: {  	p0 =	seq.s32 s10, $0x1;
	s10 =	sld [smem:$0x3FBA];
	_ =	sdelay $0x3  }
0x34: {  	[smem:$0x3FBA] =	sst s10  }
0x35: {  	s10 =	sld [smem:$0x3FB9];
	_ =	sdelay $0x3  }
0x36: {  	p1 =	seq.s32 s10, $0x1;
	s10 =	sld [smem:$0x3FBA];
	_ =	sdelay $0x3  }
0x37: {  	[smem:$0x3FBA] =	sst s10  }
0x38: {  	s10 =	sld [smem:$0x3FBB]  }
0x39: {  	_ = 	snop;
	(pc) =	sbr.ind lr, $3  }
0x3a: {  	_ = 	snop  }
0x3b: {  	_ = 	snop  }
0x3c: {  	p2 =	seq.s32 s10, $0x1;
	s10 =	sld [smem:$0x3FBA]  }
0x3d: {  	_ =	shalt  }
0x3e: {  	_ =	shalt  }
0x3f: {  	_ =	shalt  }
0x40: {  	_ =	shalt  }
0x41: {  	_ =	shalt  }
0x42: {  	_ =	shalt  }
0x43: {  	_ =	shalt  }
0x44: {  	_ =	shalt  }
0x45: {  	_ =	shalt  }
0x46: {  	_ =	shalt  }
0x47: {  	_ =	shalt  }
0x48: {  	_ =	shalt  }
0x49: {  	_ =	shalt  }
0x4a: {  	_ =	shalt  }
0x4b: {  	_ =	shalt  }
0x4c: {  	_ =	shalt  }
0x4d: {  	_ =	shalt  }
0x4e: {  	_ =	shalt  }
0x4f: {  	_ =	shalt  }
0x50: {  	_ =	shalt  }
0x51: {  	_ =	shalt  }
0x52: {  	_ =	shalt  }
0x53: {  	_ =	shalt  }
0x54: {  	_ =	shalt  }
0x55: {  	_ =	shalt  }
0x56: {  	_ =	shalt  }
0x57: {  	_ =	shalt  }
0x58: {  	_ =	shalt  }
0x59: {  	_ =	shalt  }
0x5a: {  	_ =	shalt  }
0x5b: {  	_ =	shalt  }
0x5c: {  	_ =	shalt  }
0x5d: {  	_ =	shalt  }
0x5e: {  	_ =	shalt  }
0x5f: {  	_ =	shalt  }
0x60: {  	_ =	shalt  }
0x61: {  	_ =	shalt  }
0x62: {  	_ =	shalt  }
0x63: {  	_ =	shalt  }
0x64: {  	_ =	shalt  }
0x65: {  	_ =	shalt  }
0x66: {  	_ =	shalt  }
0x67: {  	_ =	shalt  }
0x68: {  	_ =	shalt  }
0x69: {  	_ =	shalt  }
0x6a: {  	_ =	shalt  }
0x6b: {  	_ =	shalt  }
0x6c: {  	_ =	shalt  }
0x6d: {  	_ =	shalt  }
0x6e: {  	_ =	shalt  }
0x6f: {  	_ =	shalt  }
0x70: {  	_ =	shalt  }
0x71: {  	_ =	shalt  }
0x72: {  	_ =	shalt  }
0x73: {  	_ =	shalt  }
0x74: {  	_ =	shalt  }
0x75: {  	_ =	shalt  }
0x76: {  	_ =	shalt  }
0x77: {  	_ =	shalt  }
0x78: {  	_ =	shalt  }
0x79: {  	_ =	shalt  }
0x7a: {  	_ =	shalt  }
0x7b: {  	_ =	shalt  }
0x7c: {  	_ =	shalt  }
0x7d: {  	_ =	shalt  }
0x7e: {  	_ =	shalt  }
0x7f: {  	_ =	shalt  }
0x80: {  	_ =	shalt  }
0x81: {  	_ =	shalt  }
0x82: {  	_ =	shalt  }
0x83: {  	_ =	shalt  }
0x84: {  	_ =	shalt  }
0x85: {  	_ =	shalt  }
0x86: {  	_ =	shalt  }
0x87: {  	_ =	shalt  }
.Lfunc_end0:
.L_simem_size_0:
called_computation_lowered:
.L_overlay_start_0:
0x88: {  	s2 =	sld [smem:$0x3FD9]  }
0x89: {  	s3 =	sld [smem:$0x3FFE];
	_ =	sdelay $0x1  }
0x8a: {  	s1 =	srdreg.scid  }
0x8b: {  	s0 =	sand.u32 $0x1, s1  }
0x8c: {  	s17 =	sshll.u32 s0, $0xA;
	s2 =	sadd.s32 s3, s2  }
0x8d: {  	s2 =	sadd.s32 s2, s17  }
0x8e: {  	[smem:$0x3FC6] =	sst s2  }
0x8f: {  	_ = 	snop  }
0x90: {  	s2 =	sld [smem:$0x3FC9]  }
0x91: {  	s18 =	sld [smem:$0x3FD0];
	(tm) =	ssettm $0x1  }
0x92: {  	s4 =	sld [smem:$0x3FFB];
	_ =	sdelay $0x3  }
0x93: {  	_ =	strace s4  }
0x94: {  	s4 =	sld [smem:$0x3FFC];
	_ =	sdelay $0x3  }
0x95: {  	_ =	strace s4  }
0x96: {  	s4 =	sld [smem:$0x3FFD];
	_ =	sdelay $0x3  }
0x97: {  	_ =	strace s4  }
0x98: {  	_ =	strace $0x8FFFFFFF  }
0x99: {  	s19 =	sld [smem:$0x3FDB];
	_ =	sdelay $0x1  }
0x9a: {  	s5 =	simm.s32 $_scs_section_size  }
0x9b: {  	s6 =	simm.s32 $_size__tile_overlayer_lowered;
	s7 =	simm.s32 $_tile_overlayer_lowered  }
0x9c: {  	s22 =	simm.s32 $0x1BFF;
	s21 =	sshll.u32 s7, $0x1;
	s4 =	sadd.s32 s5, s19  }
0x9d: {  	s8 =	simm.s32 $0x0;
	s20 =	sshll.u32 s6, $0x1;
	s6 =	sadd.s32 s21, s4  }
0x9e: {  	[timem:s8], [sflag:s22] =	dma.local [hbm:s6], s20  }
0x9f: {  	_ =	swait.ge [sflag:s22], s20  }
0xa0: {  	s5 =	ssub.s32 $0x0, s20;
	[sflag:s22] =	ssyncset.done $0x0  }
0xa1: {  	[sflag:s22] =	ssyncadd.s32 s5;
	_ =	sdelay $0x1  }
0xa2: {  	s23 =	simm.s32 $0x1B8B  }
0xa3: {  	_ =	swait.ge [sflag:s23], $0x1  }
0xa4: {  	[sflag:s23] =	ssyncset.done $0x0  }
0xa5: {  	s25 =	simm.s32 $0x1B8E;
	s24 =	sld [smem:$0x3FFE];
	[sflag:s23] =	ssyncadd.s32 $0xFFFFFFFF  }
0xa6: {  	s26 =	simm.s32 $execute0_lowered;
	[smem:$0x3FD2] =	sst s25  }
0xa7: {  	s6 =	sshll.u32 s26, $0x1;
	_ =	strace $0x80000046;
	[dreg:$0x1] =	wrdreg $0xFFFFFFFF  }
0xa8: {  	s28 =	simm.s32 $_size_execute0_lowered;
	s4 =	sadd.s32 s4, s6;
	[dreg:$0x0] =	wrdreg $0x0  }
0xa9: {  	s6 =	sshll.u32 s28, $0x1;
	[dreg:$0x2] =	wrdreg s4  }
0xaa: {  	[dreg:$0x3] =	wrdreg s6  }
0xab: {  	[dreg:$0x4] =	wrdreg $0xC0  }
0xac: {  	_ =	task [dreg:s8], $0x5FFFF  }
0xad: {  	[dreg:$0x1] =	wrdreg $0xFFFFFFFF  }
0xae: {  	[dreg:$0x0] =	wrdreg $0x60  }
0xaf: {  	[dreg:$0x2] =	wrdreg s2  }
0xb0: {  	[dreg:$0x3] =	wrdreg s24  }
0xb1: {  	[dreg:$0x4] =	wrdreg s18  }
0xb2: {  	[dreg:$0x5] =	wrdreg $0x9  }
0xb3: {  	_ =	task.clear_ibuf [dreg:s8], $0x6FFFF;
	_ =	strace $0x90000046  }
0xb4: {  	s29 =	simm.s32 $0x9;
	_ =	strace $0x80000048  }
0xb5: {  	_ =	swait.ge [sflag:s29], $0x1  }
0xb6: {  	[sflag:s29] =	ssyncadd.s32 $0xFFFFFFFF  }
0xb7: {  	_ =	strace $0x90000048  }
0xb8: {  	_ =	sfence  }
0xb9: {  	s30 =	sld [smem:$0x0];
	_ =	sdelay $0x2  }
0xba: {  	s31 =	sshll.u32 s1, $0xD;
	s1 =	sshrl.u32 s1, $0x2  }
0xbb: {  	s3 =	sand.u32 $0x4000, s31;
	s1 =	sadd.s32 s1, s30  }
0xbc: {  	s0 =	sor.u32 s3, s0;
	s1 =	sshll.u32 s1, $0x11  }
0xbd: {  	s0 =	sor.u32 s1, s0  }
0xbe: {  	s0 =	sadd.s32 $0x8F2B, s0  }
0xbf: {  	[sflag:s0] =	ssyncadd.remote.s32 $0x1  }
0xc0: {  	_ =	sfence.sel $0xFFFF  }
0xc1: {  	[dreg:$0x0] =	wrdreg $0xFFFFFFFF;
	(pc) =	sbr.abs _section_cstart, $3  }
0xc2: {  	[dreg:$0x1] =	wrdreg $0xFFFFFFFF  }
0xc3: {  	_ =	task.clear_ibuf [dreg:s8], $0x2FFFF;
	_ =	strace $0x9FFFFFFF  }
0xc4: {  	(tm) =	ssettm $0x7FFFFFFF  }
0xc5: {  	_ =	shalt  }
tec
execute0_lowered:
.L_overlay_start_1:
0x0: {  	(tag) =	ssettag $0x1  }
0x1: {  	s2 =	srdreg.scid;
	s8 =	stileid.u32  }
0x2: {  	s1 =	rddreg [dreg:$0x0];
	s2 =	sand.u32 $0x1, s2;
	s3 =	sshll.u32 s8, $0x1  }
0x3: {  	s0 =	rddreg [dreg:$0x2];
	s5 =	ssub.s32 $0x2, s2;
	s2 =	sor.u32 s2, s3  }
0x4: {  	s4 =	simm.s32 $0x0;
	s9 =	sshrl.u32 s5, $0x1;
	s7 =	smul.u32 $0x4A200, s2  }
0x5: {  	s6 =	sshll.u32 s2, $0x1;
	s12 =	smul.u32 $0x4E200, s2;
	s2 =	sshllo.u32 s2, $0x1  }
0x6: {  	[smem:$0x7FF] =	sst s4;
	s3 =	ssub.s32 s5, s9;
	s9 =	smul.u32 $0x25100, s2  }
0x7: {  	_ =	strace $0x80000047;
	s2 =	smul.u32 $0x27100, s2;
	s7 =	sshrl.u32 s7, $0x3  }
0x8: {  	s10 =	sand.u32 $0xE, s6;
	[dreg:$0x4] =	wrdreg s12;
	s6 =	sadd.s32 s0, s7  }
0x9: {  	s28 =	simm.s32 $0x4C80;
	[dreg:$0x5] =	wrdreg s2;
	s14 =	sadd.s32 $0x944, s6  }
0xa: {  	s29 =	simm.s32 $0x9700;
	s15 =	sadd.s32 $0x1288, s6;
	[dreg:$0x6] =	wrdreg s14  }
0xb: {  	s30 =	simm.s32 $0x1;
	s16 =	sadd.s32 $0x1BCC, s6;
	[dreg:$0x7] =	wrdreg s15  }
0xc: {  	s31 =	simm.s32 $0xE180;
	s17 =	sadd.s32 $0x2510, s6;
	[dreg:$0x8] =	wrdreg s16  }
0xd: {  	s11 =	sshll.u32 s8, $0x7;
	s7 =	sadd.s32 $0x2E54, s6;
	[dreg:$0x9] =	wrdreg s17  }
0xe: {  	s18 =	sshrl.u32 s9, $0x3;
	s19 =	sadd.s32 $0x3798, s6;
	[dreg:$0xa] =	wrdreg s7  }
0xf: {  	s20 =	sadd.s32 $0x40DC, s6;
	[dreg:$0xb] =	wrdreg s19;
	s14 =	sadd.s32 s0, s18  }
0x10: {  	s8 =	simm.s32 $0x5;
	[dreg:$0xc] =	wrdreg s20;
	s21 =	sadd.s32 $0x944, s14  }
0x11: {  	s13 =	sand.u32 $0x600, s11;
	s22 =	sadd.s32 $0x1288, s14;
	[dreg:$0xd] =	wrdreg s21  }
0x12: {  	s5 =	simm.s32 $0x17680;
	s23 =	sadd.s32 $0x1BCC, s14;
	[dreg:$0xe] =	wrdreg s22  }
0x13: {  	v0 =	vmov s10;
	s10 =	simm.s32 $0x0;
	s24 =	sadd.s32 $0x2510, s14;
	[dreg:$0xf] =	wrdreg s23  }
0x14: {  	s2 =	simm.s32 $0x3;
	s25 =	sadd.s32 $0x2E54, s14;
	[dreg:$0x10] =	wrdreg s24  }
0x15: {  	s9 =	simm.s32 $0x6;
	s26 =	sadd.s32 $0x3798, s14;
	[dreg:$0x11] =	wrdreg s25  }
0x16: {  	s0 =	simm.s32 $0x2;
	s7 =	simm.s32 $0x4;
	[dreg:$0x12] =	wrdreg s26  }
0x17: {  	s22 =	sadd.s32 $0x40DC, s14;
	s23 =	smax.u32 s3, $0x1;
	s24 =	sshrl.u32 s13, $0x2  }
0x18: {  	v1 =	vor.u32 $0x1, v0;
	s25 =	simm.s32 $0x7;
	s26 =	simm.s32 $0x200;
	s3 =	simm.s32 $0x12C00  }
.LBB2_1:
0x19: {  	s11 =	rddreg [dreg:$0x1]  }
0x1a: {  	[tilespmem:s4], [sflag:$0x7] =	stream.linear.gather [hbm4b:s11+s4], $0x200, $0x38;
	[tilespmem:$0x1C100] =	vst v63  }
0x1b: {  	_ =	swait.ge [sflag:s25], $0x200  }
0x1c: {  	[sflag:s25] =	ssyncset.done $0x0  }
0x1d: {  	[sflag:s25] =	ssyncadd.s32 $0xFFFFFE00  }
0x1e: {  	v2 =	vld [tilespmem:s24+$0x0];
	_ =	sdelay $0x4  }
0x1f: {  	v3 =	vperm.xlane v2, v0;
	_ =	sdelay $0x1  }
0x20: {  	(v2sf) =	vpush v3, $0x0;
	_ =	sdelay $0x5  }
0x21: {  	v2 =	vperm.xlane v2, v1;
	_ =	sdelay $0x1  }
0x22: {  	(v2sf) =	vpush v2, $0x0;
	_ =	sdelay $0x6  }
0x23: {  	s12 =	rddreg [dreg:$0x4];
	s13 =	spop (v2sf)  }
0x24: {  	s17 =	sand.u32 $0x7, s13;
	s11 =	sadd.s32 s12, s13  }
0x25: {  	s16 =	ssub.s32 s11, s17  }
0x26: {  	s11 =	sshrl.u32 s16, $0x3;
	s15 =	sadd.s32 $0x4A20, s16  }
0x27: {  	s19 =	sadd.s32 $0x9440, s16;
	s11 =	sadd.s32 s1, s11;
	s18 =	sshrl.u32 s15, $0x3  }
0x28: {  	[tilespmem:s26], [sflag:$0x1] =	stream.linear.gather [hbm4b:s11+s4], $0x4A28, $0x38;
	[tilespmem:$0x1C100] =	vst v63  }
0x29: {  	s20 =	sshrl.u32 s19, $0x3;
	s11 =	sadd.s32 s1, s18  }
0x2a: {  	[tilespmem:s28], [sflag:$0x2] =	stream.linear.gather [hbm4b:s11+s4], $0x4A28, $0x38;
	[tilespmem:$0x1C100] =	vst v63  }
0x2b: {  	s18 =	spop (v2sf);
	s11 =	sadd.s32 s1, s20  }
0x2c: {  	[tilespmem:s29], [sflag:$0x3] =	stream.linear.gather [hbm4b:s11+s4], $0x4A28, $0x38;
	[tilespmem:$0x1C100] =	vst v63  }
0x2d: {  	_ =	swait.ge [sflag:s30], $0x4A28  }
0x2e: {  	[sflag:s30] =	ssyncset.done $0x0  }
0x2f: {  	s13 =	sor.u32 $0x240, s17;
	[sflag:s30] =	ssyncadd.s32 $0xFFFFB5D8  }
0x30: {  	v5 =	vld [tilespmem:s13+$0x30]  }
0x31: {  	v6 =	vld [tilespmem:s13+$0xFFFFFFD0]  }
0x32: {  	v7 =	vld [tilespmem:s13+$0xFFFFFFE0]  }
0x33: {  	v2 =	vld [tilespmem:s13+$0xFFFFFFF0]  }
0x34: {  	s15 =	simm.s32 $0xE1C0;
	v3 =	vld [tilespmem:s13+$0x0]  }
0x35: {  	s21 =	rddreg [dreg:$0x5];
	v4 =	vld [tilespmem:s13+$0x10];
	[tilespmem:s15+$0x30] =	vst v5  }
0x36: {  	s17 =	sshll.u32 s17, $0x2;
	s12 =	sand.u32 $0x7, s18;
	s11 =	sadd.s32 s21, s18;
	[tilespmem:s15+$0xFFFFFFD0] =	vst v6;
	v5 =	vld [tilespmem:s13+$0x20]  }
0x37: {  	s19 =	sadd.s32 $0x80, s13;
	s18 =	simm.s32 $0x0;
	s11 =	ssub.s32 s11, s12;
	v6 =	vld [tilespmem:s13+$0xFFFFFFC0];
	[tilespmem:s15+$0xFFFFFFE0] =	vst v7  }
.LBB2_2:
0x38: {  	v7 =	vld [tilespmem:s19+$0x30];
	s18 =	sadd.s32 $0x8, s18;
	[tilespmem:s15+$0xFFFFFFF0] =	vst v2  }
0x39: {  	v8 =	vld [tilespmem:s19+$0xFFFFFFD0];
	p0 =	slt.u32 s18, $0x498;
	[tilespmem:s15+$0x0] =	vst v3  }
0x3a: {  	v9 =	vld [tilespmem:s19+$0xFFFFFFE0];
	[tilespmem:s15+$0x10] =	vst v4  }
.Ltmp0:
0x3b: {  	v2 =	vld [tilespmem:s19+$0xFFFFFFF0];
	[tilespmem:s15+$0x20] =	vst v5;
	(pc) =	sbr.rel @p0 .LBB2_2-.Ltmp0, $4  }
0x3c: {  	v3 =	vld [tilespmem:s19+$0x0];
	[tilespmem:s15+$0xFFFFFFC0] =	vst v6;
	s15 =	sadd.s32 $0x80, s15  }
0x3d: {  	v4 =	vld [tilespmem:s19+$0x10];
	[tilespmem:s15+$0x30] =	vst v7  }
0x3e: {  	[tilespmem:s15+$0xFFFFFFD0] =	vst v8;
	v5 =	vld [tilespmem:s19+$0x20]  }
0x3f: {  	v6 =	vld [tilespmem:s19+$0xFFFFFFC0];
	[tilespmem:s15+$0xFFFFFFE0] =	vst v9;
	s19 =	sadd.s32 $0x80, s19  }
0x40: {  	s18 =	sshrl.u32 s17, $0x2  }
0x41: {  	[tilespmem:s15+$0xFFFFFFF0] =	vst v2;
	s17 =	sor.u32 $0x4C00, s18  }
0x42: {  	[tilespmem:s15+$0x0] =	vst v3;
	v2 =	vmov s17  }
0x43: {  	[tilespmem:s15+$0x10] =	vst v4  }
0x44: {  	[tilespmem:s15+$0x20] =	vst v5  }
0x45: {  	[tilespmem:s15+$0xFFFFFFC0] =	vst v6;
	s15 =	simm.s32 $0x0  }
.LBB2_4:
0x46: {  	s17 =	sshra.s32 s15, $0x2  }
0x47: {  	p0 =	sne.s32 s15, $0x40;
	v3 =	vld.idx.msk [tilespmem:v2+s17+$0x0 ss:$0x1], $0xffff  }
.Ltmp1:
0x48: {  	_ = 	snop;
	(pc) =	sbr.rel @p0 .LBB2_4-.Ltmp1, $2  }
0x49: {  	_ =	sdelay $0x2  }
0x4a: {  	s15 =	sadd.s32 $0x40, s15;
	[tilespmem:s17+$0x12B80] =	vst v3  }
0x4b: {  	s15 =	sadd.s32 $0xDE60, s16  }
0x4c: {  	[hbm4b:s6+s4] =	stream.linear.scatter [tilespmem:s31], [sflag:$0x4], $0x4A20, $0x38;
	[tilespmem:$0x1C100] =	vst v63  }
0x4d: {  	s15 =	sshrl.u32 s15, $0x3  }
0x4e: {  	s15 =	sadd.s32 s1, s15  }
0x4f: {  	[tilespmem:s26], [sflag:$0x1] =	stream.linear.gather [hbm4b:s15+s4], $0x4A28, $0x38;
	[tilespmem:$0x1C100] =	vst v63  }
0x50: {  	_ =	swait.ge [sflag:s0], $0x4A28  }
0x51: {  	[sflag:s0] =	ssyncset.done $0x0  }
0x52: {  	s15 =	sor.u32 $0x4CC0, s18;
	[sflag:s0] =	ssyncadd.s32 $0xFFFFB5D8  }
0x53: {  	v6 =	vld [tilespmem:s15+$0x30]  }
0x54: {  	v7 =	vld [tilespmem:s15+$0xFFFFFFD0]  }
0x55: {  	v8 =	vld [tilespmem:s15+$0xFFFFFFE0]  }
0x56: {  	v3 =	vld [tilespmem:s15+$0xFFFFFFF0]  }
0x57: {  	s17 =	simm.s32 $0x12C40;
	v4 =	vld [tilespmem:s15+$0x0]  }
0x58: {  	v5 =	vld [tilespmem:s15+$0x10];
	[tilespmem:s17+$0x30] =	vst v6  }
0x59: {  	[tilespmem:s17+$0xFFFFFFD0] =	vst v7;
	v7 =	vld [tilespmem:s15+$0x20]  }
0x5a: {  	s19 =	simm.s32 $0x0;
	s20 =	sadd.s32 $0x80, s15;
	v6 =	vld [tilespmem:s15+$0xFFFFFFC0];
	[tilespmem:s17+$0xFFFFFFE0] =	vst v8  }
.LBB2_6:
0x5b: {  	v8 =	vld [tilespmem:s20+$0x30];
	s19 =	sadd.s32 $0x8, s19;
	[tilespmem:s17+$0xFFFFFFF0] =	vst v3  }
0x5c: {  	v9 =	vld [tilespmem:s20+$0xFFFFFFD0];
	p0 =	slt.u32 s19, $0x498;
	[tilespmem:s17+$0x0] =	vst v4  }
0x5d: {  	v10 =	vld [tilespmem:s20+$0xFFFFFFE0];
	[tilespmem:s17+$0x10] =	vst v5  }
.Ltmp2:
0x5e: {  	v3 =	vld [tilespmem:s20+$0xFFFFFFF0];
	[tilespmem:s17+$0x20] =	vst v7;
	(pc) =	sbr.rel @p0 .LBB2_6-.Ltmp2, $4  }
0x5f: {  	v4 =	vld [tilespmem:s20+$0x0];
	[tilespmem:s17+$0xFFFFFFC0] =	vst v6;
	s17 =	sadd.s32 $0x80, s17  }
0x60: {  	v5 =	vld [tilespmem:s20+$0x10];
	[tilespmem:s17+$0x30] =	vst v8  }
0x61: {  	[tilespmem:s17+$0xFFFFFFD0] =	vst v9;
	v7 =	vld [tilespmem:s20+$0x20]  }
0x62: {  	v6 =	vld [tilespmem:s20+$0xFFFFFFC0];
	[tilespmem:s17+$0xFFFFFFE0] =	vst v10;
	s20 =	sadd.s32 $0x80, s20  }
0x63: {  	[tilespmem:s17+$0xFFFFFFF0] =	vst v3;
	s19 =	sor.u32 $0x9680, s18  }
0x64: {  	[tilespmem:s17+$0x0] =	vst v4;
	v3 =	vmov s19  }
0x65: {  	[tilespmem:s17+$0x10] =	vst v5  }
0x66: {  	[tilespmem:s17+$0x20] =	vst v7  }
0x67: {  	[tilespmem:s17+$0xFFFFFFC0] =	vst v6;
	s17 =	simm.s32 $0x0  }
.LBB2_8:
0x68: {  	s19 =	sshra.s32 s17, $0x2  }
0x69: {  	p0 =	sne.s32 s17, $0x40;
	v4 =	vld.idx.msk [tilespmem:v3+s19+$0x0 ss:$0x1], $0xffff  }
.Ltmp3:
0x6a: {  	_ = 	snop;
	(pc) =	sbr.rel @p0 .LBB2_8-.Ltmp3, $2  }
0x6b: {  	_ =	sdelay $0x2  }
0x6c: {  	s17 =	sadd.s32 $0x40, s17;
	[tilespmem:s19+$0x17600] =	vst v4  }
0x6d: {  	s17 =	sadd.s32 $0x12880, s16;
	s19 =	rddreg [dreg:$0x6]  }
0x6e: {  	[hbm4b:s19+s4] =	stream.linear.scatter [tilespmem:s3], [sflag:$0x5], $0x4A20, $0x38;
	[tilespmem:$0x1C100] =	vst v63  }
0x6f: {  	s17 =	sshrl.u32 s17, $0x3  }
0x70: {  	s17 =	sadd.s32 s1, s17  }
0x71: {  	[tilespmem:s28], [sflag:$0x2] =	stream.linear.gather [hbm4b:s17+s4], $0x4A28, $0x38;
	[tilespmem:$0x1C100] =	vst v63  }
0x72: {  	_ =	swait.ge [sflag:s2], $0x4A28  }
0x73: {  	[sflag:s2] =	ssyncset.done $0x0  }
0x74: {  	s17 =	sor.u32 $0x9740, s18;
	[sflag:s2] =	ssyncadd.s32 $0xFFFFB5D8  }
0x75: {  	v7 =	vld [tilespmem:s17+$0x30]  }
0x76: {  	v8 =	vld [tilespmem:s17+$0xFFFFFFD0]  }
0x77: {  	v9 =	vld [tilespmem:s17+$0xFFFFFFE0]  }
0x78: {  	v4 =	vld [tilespmem:s17+$0xFFFFFFF0]  }
0x79: {  	s19 =	simm.s32 $0x176C0;
	v5 =	vld [tilespmem:s17+$0x0]  }
0x7a: {  	v6 =	vld [tilespmem:s17+$0x10];
	[tilespmem:s19+$0x30] =	vst v7  }
0x7b: {  	[tilespmem:s19+$0xFFFFFFD0] =	vst v8;
	v8 =	vld [tilespmem:s17+$0x20]  }
0x7c: {  	s20 =	simm.s32 $0x0;
	s21 =	sadd.s32 $0x80, s17;
	v7 =	vld [tilespmem:s17+$0xFFFFFFC0];
	[tilespmem:s19+$0xFFFFFFE0] =	vst v9  }
.LBB2_10:
0x7d: {  	v9 =	vld [tilespmem:s21+$0x30];
	s20 =	sadd.s32 $0x8, s20;
	[tilespmem:s19+$0xFFFFFFF0] =	vst v4  }
0x7e: {  	v10 =	vld [tilespmem:s21+$0xFFFFFFD0];
	p0 =	slt.u32 s20, $0x498;
	[tilespmem:s19+$0x0] =	vst v5  }
0x7f: {  	v11 =	vld [tilespmem:s21+$0xFFFFFFE0];
	[tilespmem:s19+$0x10] =	vst v6  }
.Ltmp4:
0x80: {  	v4 =	vld [tilespmem:s21+$0xFFFFFFF0];
	[tilespmem:s19+$0x20] =	vst v8;
	(pc) =	sbr.rel @p0 .LBB2_10-.Ltmp4, $4  }
0x81: {  	v5 =	vld [tilespmem:s21+$0x0];
	[tilespmem:s19+$0xFFFFFFC0] =	vst v7;
	s19 =	sadd.s32 $0x80, s19  }
0x82: {  	v6 =	vld [tilespmem:s21+$0x10];
	[tilespmem:s19+$0x30] =	vst v9  }
0x83: {  	[tilespmem:s19+$0xFFFFFFD0] =	vst v10;
	v8 =	vld [tilespmem:s21+$0x20]  }
0x84: {  	v7 =	vld [tilespmem:s21+$0xFFFFFFC0];
	[tilespmem:s19+$0xFFFFFFE0] =	vst v11;
	s21 =	sadd.s32 $0x80, s21  }
0x85: {  	[tilespmem:s19+$0xFFFFFFF0] =	vst v4;
	s20 =	sor.u32 $0xE100, s18  }
0x86: {  	[tilespmem:s19+$0x0] =	vst v5;
	v4 =	vmov s20  }
0x87: {  	[tilespmem:s19+$0x10] =	vst v6  }
0x88: {  	[tilespmem:s19+$0x20] =	vst v8  }
0x89: {  	s18 =	simm.s32 $0x0;
	[tilespmem:s19+$0xFFFFFFC0] =	vst v7  }
.LBB2_12:
0x8a: {  	s19 =	sshra.s32 s18, $0x2  }
0x8b: {  	p0 =	sne.s32 s18, $0x40;
	v5 =	vld.idx.msk [tilespmem:v4+s19+$0x0 ss:$0x1], $0xffff  }
.Ltmp5:
0x8c: {  	_ = 	snop;
	(pc) =	sbr.rel @p0 .LBB2_12-.Ltmp5, $2  }
0x8d: {  	_ =	sdelay $0x2  }
0x8e: {  	s18 =	sadd.s32 $0x40, s18;
	[tilespmem:s19+$0x1C080] =	vst v5  }
0x8f: {  	s18 =	sadd.s32 $0x172A0, s16;
	s19 =	rddreg [dreg:$0x7]  }
0x90: {  	[hbm4b:s19+s4] =	stream.linear.scatter [tilespmem:s5], [sflag:$0x6], $0x4A20, $0x38;
	[tilespmem:$0x1C100] =	vst v63  }
0x91: {  	s18 =	sshrl.u32 s18, $0x3  }
0x92: {  	s18 =	sadd.s32 s1, s18  }
0x93: {  	[tilespmem:s29], [sflag:$0x3] =	stream.linear.gather [hbm4b:s18+s4], $0x4A28, $0x38;
	[tilespmem:$0x1C100] =	vst v63  }
0x94: {  	_ =	swait.ge [sflag:s30], $0x4A28  }
0x95: {  	[sflag:s30] =	ssyncset.done $0x0  }
0x96: {  	[sflag:s30] =	ssyncadd.s32 $0xFFFFB5D8  }
0x97: {  	_ =	swait.ge [sflag:s7], $0x4A20  }
0x98: {  	[sflag:s7] =	ssyncset.done $0x0  }
0x99: {  	[sflag:s7] =	ssyncadd.s32 $0xFFFFB5E0  }
0x9a: {  	v8 =	vld [tilespmem:s13+$0x30]  }
0x9b: {  	v9 =	vld [tilespmem:s13+$0xFFFFFFD0]  }
0x9c: {  	v10 =	vld [tilespmem:s13+$0xFFFFFFE0]  }
0x9d: {  	v5 =	vld [tilespmem:s13+$0xFFFFFFF0]  }
0x9e: {  	s18 =	simm.s32 $0xE1C0;
	v6 =	vld [tilespmem:s13+$0x0]  }
0x9f: {  	v7 =	vld [tilespmem:s13+$0x10];
	[tilespmem:s18+$0x30] =	vst v8  }
0xa0: {  	[tilespmem:s18+$0xFFFFFFD0] =	vst v9;
	v8 =	vld [tilespmem:s13+$0x20]  }
0xa1: {  	s20 =	sadd.s32 $0x80, s13;
	s19 =	simm.s32 $0x0;
	v9 =	vld [tilespmem:s13+$0xFFFFFFC0];
	[tilespmem:s18+$0xFFFFFFE0] =	vst v10  }
.LBB2_14:
0xa2: {  	v10 =	vld [tilespmem:s20+$0x30];
	s19 =	sadd.s32 $0x8, s19;
	[tilespmem:s18+$0xFFFFFFF0] =	vst v5  }
0xa3: {  	v11 =	vld [tilespmem:s20+$0xFFFFFFD0];
	p0 =	slt.u32 s19, $0x498;
	[tilespmem:s18+$0x0] =	vst v6  }
0xa4: {  	v12 =	vld [tilespmem:s20+$0xFFFFFFE0];
	[tilespmem:s18+$0x10] =	vst v7  }
.Ltmp6:
0xa5: {  	v5 =	vld [tilespmem:s20+$0xFFFFFFF0];
	[tilespmem:s18+$0x20] =	vst v8;
	(pc) =	sbr.rel @p0 .LBB2_14-.Ltmp6, $4  }
0xa6: {  	v6 =	vld [tilespmem:s20+$0x0];
	[tilespmem:s18+$0xFFFFFFC0] =	vst v9;
	s18 =	sadd.s32 $0x80, s18  }
0xa7: {  	v7 =	vld [tilespmem:s20+$0x10];
	[tilespmem:s18+$0x30] =	vst v10  }
0xa8: {  	[tilespmem:s18+$0xFFFFFFD0] =	vst v11;
	v8 =	vld [tilespmem:s20+$0x20]  }
0xa9: {  	v9 =	vld [tilespmem:s20+$0xFFFFFFC0];
	[tilespmem:s18+$0xFFFFFFE0] =	vst v12;
	s20 =	sadd.s32 $0x80, s20  }
0xaa: {  	[tilespmem:s18+$0xFFFFFFF0] =	vst v5  }
0xab: {  	[tilespmem:s18+$0x0] =	vst v6  }
0xac: {  	[tilespmem:s18+$0x10] =	vst v7  }
0xad: {  	[tilespmem:s18+$0x20] =	vst v8  }
0xae: {  	[tilespmem:s18+$0xFFFFFFC0] =	vst v9;
	s18 =	simm.s32 $0x0  }
.LBB2_16:
0xaf: {  	s19 =	sshra.s32 s18, $0x2  }
0xb0: {  	p0 =	sne.s32 s18, $0x40;
	v5 =	vld.idx.msk [tilespmem:v2+s19+$0x0 ss:$0x1], $0xffff  }
.Ltmp7:
0xb1: {  	_ = 	snop;
	(pc) =	sbr.rel @p0 .LBB2_16-.Ltmp7, $2  }
0xb2: {  	_ =	sdelay $0x2  }
0xb3: {  	s18 =	sadd.s32 $0x40, s18;
	[tilespmem:s19+$0x12B80] =	vst v5  }
0xb4: {  	s18 =	sadd.s32 $0x1BCC0, s16;
	s19 =	rddreg [dreg:$0x8]  }
0xb5: {  	[hbm4b:s19+s4] =	stream.linear.scatter [tilespmem:s31], [sflag:$0x4], $0x4A20, $0x38;
	[tilespmem:$0x1C100] =	vst v63  }
0xb6: {  	s18 =	sshrl.u32 s18, $0x3  }
0xb7: {  	s18 =	sadd.s32 s1, s18  }
0xb8: {  	[tilespmem:s26], [sflag:$0x1] =	stream.linear.gather [hbm4b:s18+s4], $0x4A28, $0x38;
	[tilespmem:$0x1C100] =	vst v63  }
0xb9: {  	_ =	swait.ge [sflag:s0], $0x4A28  }
0xba: {  	[sflag:s0] =	ssyncset.done $0x0  }
0xbb: {  	[sflag:s0] =	ssyncadd.s32 $0xFFFFB5D8  }
0xbc: {  	_ =	swait.ge [sflag:s8], $0x4A20  }
0xbd: {  	[sflag:s8] =	ssyncset.done $0x0  }
0xbe: {  	[sflag:s8] =	ssyncadd.s32 $0xFFFFB5E0  }
0xbf: {  	v8 =	vld [tilespmem:s15+$0x30]  }
0xc0: {  	v9 =	vld [tilespmem:s15+$0xFFFFFFD0]  }
0xc1: {  	v10 =	vld [tilespmem:s15+$0xFFFFFFE0]  }
0xc2: {  	v5 =	vld [tilespmem:s15+$0xFFFFFFF0]  }
0xc3: {  	s18 =	simm.s32 $0x12C40;
	v6 =	vld [tilespmem:s15+$0x0]  }
0xc4: {  	v7 =	vld [tilespmem:s15+$0x10];
	[tilespmem:s18+$0x30] =	vst v8  }
0xc5: {  	[tilespmem:s18+$0xFFFFFFD0] =	vst v9;
	v8 =	vld [tilespmem:s15+$0x20]  }
0xc6: {  	s20 =	sadd.s32 $0x80, s15;
	s19 =	simm.s32 $0x0;
	v9 =	vld [tilespmem:s15+$0xFFFFFFC0];
	[tilespmem:s18+$0xFFFFFFE0] =	vst v10  }
.LBB2_18:
0xc7: {  	v10 =	vld [tilespmem:s20+$0x30];
	s19 =	sadd.s32 $0x8, s19;
	[tilespmem:s18+$0xFFFFFFF0] =	vst v5  }
0xc8: {  	v11 =	vld [tilespmem:s20+$0xFFFFFFD0];
	p0 =	slt.u32 s19, $0x498;
	[tilespmem:s18+$0x0] =	vst v6  }
0xc9: {  	v12 =	vld [tilespmem:s20+$0xFFFFFFE0];
	[tilespmem:s18+$0x10] =	vst v7  }
.Ltmp8:
0xca: {  	v5 =	vld [tilespmem:s20+$0xFFFFFFF0];
	[tilespmem:s18+$0x20] =	vst v8;
	(pc) =	sbr.rel @p0 .LBB2_18-.Ltmp8, $4  }
0xcb: {  	v6 =	vld [tilespmem:s20+$0x0];
	[tilespmem:s18+$0xFFFFFFC0] =	vst v9;
	s18 =	sadd.s32 $0x80, s18  }
0xcc: {  	v7 =	vld [tilespmem:s20+$0x10];
	[tilespmem:s18+$0x30] =	vst v10  }
0xcd: {  	[tilespmem:s18+$0xFFFFFFD0] =	vst v11;
	v8 =	vld [tilespmem:s20+$0x20]  }
0xce: {  	v9 =	vld [tilespmem:s20+$0xFFFFFFC0];
	[tilespmem:s18+$0xFFFFFFE0] =	vst v12;
	s20 =	sadd.s32 $0x80, s20  }
0xcf: {  	[tilespmem:s18+$0xFFFFFFF0] =	vst v5  }
0xd0: {  	[tilespmem:s18+$0x0] =	vst v6  }
0xd1: {  	[tilespmem:s18+$0x10] =	vst v7  }
0xd2: {  	[tilespmem:s18+$0x20] =	vst v8  }
0xd3: {  	[tilespmem:s18+$0xFFFFFFC0] =	vst v9;
	s18 =	simm.s32 $0x0  }
.LBB2_20:
0xd4: {  	s19 =	sshra.s32 s18, $0x2  }
0xd5: {  	p0 =	sne.s32 s18, $0x40;
	v5 =	vld.idx.msk [tilespmem:v3+s19+$0x0 ss:$0x1], $0xffff  }
.Ltmp9:
0xd6: {  	_ = 	snop;
	(pc) =	sbr.rel @p0 .LBB2_20-.Ltmp9, $2  }
0xd7: {  	_ =	sdelay $0x2  }
0xd8: {  	s18 =	sadd.s32 $0x40, s18;
	[tilespmem:s19+$0x17600] =	vst v5  }
0xd9: {  	s16 =	sadd.s32 $0x206E0, s16;
	s18 =	rddreg [dreg:$0x9]  }
0xda: {  	[hbm4b:s18+s4] =	stream.linear.scatter [tilespmem:s3], [sflag:$0x5], $0x4A20, $0x38;
	[tilespmem:$0x1C100] =	vst v63  }
0xdb: {  	s16 =	sshrl.u32 s16, $0x3  }
0xdc: {  	s16 =	sadd.s32 s1, s16  }
0xdd: {  	[tilespmem:s28], [sflag:$0x2] =	stream.linear.gather [hbm4b:s16+s4], $0x4A28, $0x38;
	[tilespmem:$0x1C100] =	vst v63  }
0xde: {  	_ =	swait.ge [sflag:s2], $0x4A28  }
0xdf: {  	[sflag:s2] =	ssyncset.done $0x0  }
0xe0: {  	[sflag:s2] =	ssyncadd.s32 $0xFFFFB5D8  }
0xe1: {  	_ =	swait.ge [sflag:s9], $0x4A20  }
0xe2: {  	[sflag:s9] =	ssyncset.done $0x0  }
0xe3: {  	[sflag:s9] =	ssyncadd.s32 $0xFFFFB5E0  }
0xe4: {  	v8 =	vld [tilespmem:s17+$0x30]  }
0xe5: {  	v9 =	vld [tilespmem:s17+$0xFFFFFFD0]  }
0xe6: {  	v10 =	vld [tilespmem:s17+$0xFFFFFFE0]  }
0xe7: {  	v5 =	vld [tilespmem:s17+$0xFFFFFFF0]  }
0xe8: {  	s16 =	simm.s32 $0x176C0;
	v6 =	vld [tilespmem:s17+$0x0]  }
0xe9: {  	v7 =	vld [tilespmem:s17+$0x10];
	[tilespmem:s16+$0x30] =	vst v8  }
0xea: {  	[tilespmem:s16+$0xFFFFFFD0] =	vst v9;
	v8 =	vld [tilespmem:s17+$0x20]  }
0xeb: {  	s18 =	simm.s32 $0x0;
	v9 =	vld [tilespmem:s17+$0xFFFFFFC0];
	[tilespmem:s16+$0xFFFFFFE0] =	vst v10;
	s17 =	sadd.s32 $0x80, s17  }
.LBB2_22:
0xec: {  	v10 =	vld [tilespmem:s17+$0x30];
	s18 =	sadd.s32 $0x8, s18;
	[tilespmem:s16+$0xFFFFFFF0] =	vst v5  }
0xed: {  	v11 =	vld [tilespmem:s17+$0xFFFFFFD0];
	p0 =	slt.u32 s18, $0x498;
	[tilespmem:s16+$0x0] =	vst v6  }
0xee: {  	v12 =	vld [tilespmem:s17+$0xFFFFFFE0];
	[tilespmem:s16+$0x10] =	vst v7  }
.Ltmp10:
0xef: {  	v5 =	vld [tilespmem:s17+$0xFFFFFFF0];
	[tilespmem:s16+$0x20] =	vst v8;
	(pc) =	sbr.rel @p0 .LBB2_22-.Ltmp10, $4  }
0xf0: {  	v6 =	vld [tilespmem:s17+$0x0];
	[tilespmem:s16+$0xFFFFFFC0] =	vst v9;
	s16 =	sadd.s32 $0x80, s16  }
0xf1: {  	v7 =	vld [tilespmem:s17+$0x10];
	[tilespmem:s16+$0x30] =	vst v10  }
0xf2: {  	[tilespmem:s16+$0xFFFFFFD0] =	vst v11;
	v8 =	vld [tilespmem:s17+$0x20]  }
0xf3: {  	v9 =	vld [tilespmem:s17+$0xFFFFFFC0];
	[tilespmem:s16+$0xFFFFFFE0] =	vst v12;
	s17 =	sadd.s32 $0x80, s17  }
0xf4: {  	[tilespmem:s16+$0xFFFFFFF0] =	vst v5  }
0xf5: {  	[tilespmem:s16+$0x0] =	vst v6  }
0xf6: {  	[tilespmem:s16+$0x10] =	vst v7  }
0xf7: {  	[tilespmem:s16+$0x20] =	vst v8  }
0xf8: {  	[tilespmem:s16+$0xFFFFFFC0] =	vst v9;
	s16 =	simm.s32 $0x0  }
.LBB2_24:
0xf9: {  	s17 =	sshra.s32 s16, $0x2  }
0xfa: {  	p0 =	sne.s32 s16, $0x40;
	v5 =	vld.idx.msk [tilespmem:v4+s17+$0x0 ss:$0x1], $0xffff  }
.Ltmp11:
0xfb: {  	_ = 	snop;
	(pc) =	sbr.rel @p0 .LBB2_24-.Ltmp11, $2  }
0xfc: {  	_ =	sdelay $0x2  }
0xfd: {  	s16 =	sadd.s32 $0x40, s16;
	[tilespmem:s17+$0x1C080] =	vst v5  }
0xfe: {  	s16 =	rddreg [dreg:$0xa];
	s21 =	sshrl.u32 s11, $0x3  }
0xff: {  	[hbm4b:s16+s4] =	stream.linear.scatter [tilespmem:s5], [sflag:$0x6], $0x4A20, $0x38;
	[tilespmem:$0x1C100] =	vst v63  }
0x100: {  	s16 =	sadd.s32 s1, s21  }
0x101: {  	[tilespmem:s29], [sflag:$0x3] =	stream.linear.gather [hbm4b:s16+s4], $0x4A28, $0x38;
	[tilespmem:$0x1C100] =	vst v63  }
0x102: {  	_ =	swait.ge [sflag:s30], $0x4A28  }
0x103: {  	[sflag:s30] =	ssyncset.done $0x0  }
0x104: {  	[sflag:s30] =	ssyncadd.s32 $0xFFFFB5D8  }
0x105: {  	_ =	swait.ge [sflag:s7], $0x4A20  }
0x106: {  	[sflag:s7] =	ssyncset.done $0x0  }
0x107: {  	[sflag:s7] =	ssyncadd.s32 $0xFFFFB5E0  }
0x108: {  	v7 =	vld [tilespmem:s13+$0x30]  }
0x109: {  	v8 =	vld [tilespmem:s13+$0xFFFFFFD0]  }
0x10a: {  	v9 =	vld [tilespmem:s13+$0xFFFFFFE0]  }
0x10b: {  	v4 =	vld [tilespmem:s13+$0xFFFFFFF0]  }
0x10c: {  	s16 =	simm.s32 $0xE1C0;
	v5 =	vld [tilespmem:s13+$0x0]  }
0x10d: {  	v6 =	vld [tilespmem:s13+$0x10];
	[tilespmem:s16+$0x30] =	vst v7  }
0x10e: {  	[tilespmem:s16+$0xFFFFFFD0] =	vst v8;
	v7 =	vld [tilespmem:s13+$0x20]  }
0x10f: {  	s17 =	simm.s32 $0x0;
	v8 =	vld [tilespmem:s13+$0xFFFFFFC0];
	[tilespmem:s16+$0xFFFFFFE0] =	vst v9;
	s13 =	sadd.s32 $0x80, s13  }
.LBB2_26:
0x110: {  	v9 =	vld [tilespmem:s13+$0x30];
	s17 =	sadd.s32 $0x8, s17;
	[tilespmem:s16+$0xFFFFFFF0] =	vst v4  }
0x111: {  	v10 =	vld [tilespmem:s13+$0xFFFFFFD0];
	p0 =	slt.u32 s17, $0x498;
	[tilespmem:s16+$0x0] =	vst v5  }
0x112: {  	v11 =	vld [tilespmem:s13+$0xFFFFFFE0];
	[tilespmem:s16+$0x10] =	vst v6  }
.Ltmp12:
0x113: {  	v4 =	vld [tilespmem:s13+$0xFFFFFFF0];
	[tilespmem:s16+$0x20] =	vst v7;
	(pc) =	sbr.rel @p0 .LBB2_26-.Ltmp12, $4  }
0x114: {  	v5 =	vld [tilespmem:s13+$0x0];
	[tilespmem:s16+$0xFFFFFFC0] =	vst v8;
	s16 =	sadd.s32 $0x80, s16  }
0x115: {  	v6 =	vld [tilespmem:s13+$0x10];
	[tilespmem:s16+$0x30] =	vst v9  }
0x116: {  	[tilespmem:s16+$0xFFFFFFD0] =	vst v10;
	v7 =	vld [tilespmem:s13+$0x20]  }
0x117: {  	v8 =	vld [tilespmem:s13+$0xFFFFFFC0];
	[tilespmem:s16+$0xFFFFFFE0] =	vst v11;
	s13 =	sadd.s32 $0x80, s13  }
0x118: {  	[tilespmem:s16+$0xFFFFFFF0] =	vst v4  }
0x119: {  	[tilespmem:s16+$0x0] =	vst v5  }
0x11a: {  	[tilespmem:s16+$0x10] =	vst v6  }
0x11b: {  	[tilespmem:s16+$0x20] =	vst v7  }
0x11c: {  	s13 =	simm.s32 $0x0;
	[tilespmem:s16+$0xFFFFFFC0] =	vst v8  }
.LBB2_28:
0x11d: {  	s16 =	sshra.s32 s13, $0x2  }
0x11e: {  	p0 =	sne.s32 s13, $0x40;
	v4 =	vld.idx.msk [tilespmem:v2+s16+$0x0 ss:$0x1], $0xffff  }
.Ltmp13:
0x11f: {  	_ = 	snop;
	(pc) =	sbr.rel @p0 .LBB2_28-.Ltmp13, $2  }
0x120: {  	_ =	sdelay $0x2  }
0x121: {  	s13 =	sadd.s32 $0x40, s13;
	[tilespmem:s16+$0x12B80] =	vst v4  }
0x122: {  	s13 =	sadd.s32 $0x4A20, s11;
	s16 =	rddreg [dreg:$0xb]  }
0x123: {  	[hbm4b:s16+s4] =	stream.linear.scatter [tilespmem:s31], [sflag:$0x4], $0x4A20, $0x38;
	[tilespmem:$0x1C100] =	vst v63  }
0x124: {  	s13 =	sshrl.u32 s13, $0x3  }
0x125: {  	s13 =	sadd.s32 s1, s13  }
0x126: {  	[tilespmem:s26], [sflag:$0x1] =	stream.linear.gather [hbm4b:s13+s4], $0x4A28, $0x38;
	[tilespmem:$0x1C100] =	vst v63  }
0x127: {  	_ =	swait.ge [sflag:s0], $0x4A28  }
0x128: {  	[sflag:s0] =	ssyncset.done $0x0  }
0x129: {  	[sflag:s0] =	ssyncadd.s32 $0xFFFFB5D8  }
0x12a: {  	_ =	swait.ge [sflag:s8], $0x4A20  }
0x12b: {  	[sflag:s8] =	ssyncset.done $0x0  }
0x12c: {  	[sflag:s8] =	ssyncadd.s32 $0xFFFFB5E0  }
0x12d: {  	v6 =	vld [tilespmem:s15+$0x30]  }
0x12e: {  	v7 =	vld [tilespmem:s15+$0xFFFFFFD0]  }
0x12f: {  	v8 =	vld [tilespmem:s15+$0xFFFFFFE0]  }
0x130: {  	v2 =	vld [tilespmem:s15+$0xFFFFFFF0]  }
0x131: {  	s13 =	simm.s32 $0x12C40;
	v4 =	vld [tilespmem:s15+$0x0]  }
0x132: {  	v5 =	vld [tilespmem:s15+$0x10];
	[tilespmem:s13+$0x30] =	vst v6  }
0x133: {  	[tilespmem:s13+$0xFFFFFFD0] =	vst v7;
	v6 =	vld [tilespmem:s15+$0x20]  }
0x134: {  	s16 =	simm.s32 $0x0;
	v7 =	vld [tilespmem:s15+$0xFFFFFFC0];
	[tilespmem:s13+$0xFFFFFFE0] =	vst v8;
	s15 =	sadd.s32 $0x80, s15  }
.LBB2_30:
0x135: {  	v8 =	vld [tilespmem:s15+$0x30];
	s16 =	sadd.s32 $0x8, s16;
	[tilespmem:s13+$0xFFFFFFF0] =	vst v2  }
0x136: {  	v9 =	vld [tilespmem:s15+$0xFFFFFFD0];
	p0 =	slt.u32 s16, $0x498;
	[tilespmem:s13+$0x0] =	vst v4  }
0x137: {  	v10 =	vld [tilespmem:s15+$0xFFFFFFE0];
	[tilespmem:s13+$0x10] =	vst v5  }
.Ltmp14:
0x138: {  	v2 =	vld [tilespmem:s15+$0xFFFFFFF0];
	[tilespmem:s13+$0x20] =	vst v6;
	(pc) =	sbr.rel @p0 .LBB2_30-.Ltmp14, $4  }
0x139: {  	v4 =	vld [tilespmem:s15+$0x0];
	[tilespmem:s13+$0xFFFFFFC0] =	vst v7;
	s13 =	sadd.s32 $0x80, s13  }
0x13a: {  	v5 =	vld [tilespmem:s15+$0x10];
	[tilespmem:s13+$0x30] =	vst v8  }
0x13b: {  	[tilespmem:s13+$0xFFFFFFD0] =	vst v9;
	v6 =	vld [tilespmem:s15+$0x20]  }
0x13c: {  	v7 =	vld [tilespmem:s15+$0xFFFFFFC0];
	[tilespmem:s13+$0xFFFFFFE0] =	vst v10;
	s15 =	sadd.s32 $0x80, s15  }
0x13d: {  	[tilespmem:s13+$0xFFFFFFF0] =	vst v2  }
0x13e: {  	[tilespmem:s13+$0x0] =	vst v4  }
0x13f: {  	[tilespmem:s13+$0x10] =	vst v5  }
0x140: {  	[tilespmem:s13+$0x20] =	vst v6  }
0x141: {  	[tilespmem:s13+$0xFFFFFFC0] =	vst v7;
	s13 =	simm.s32 $0x0  }
.LBB2_32:
0x142: {  	s15 =	sshra.s32 s13, $0x2  }
0x143: {  	p0 =	sne.s32 s13, $0x40;
	v2 =	vld.idx.msk [tilespmem:v3+s15+$0x0 ss:$0x1], $0xffff  }
.Ltmp15:
0x144: {  	_ = 	snop;
	(pc) =	sbr.rel @p0 .LBB2_32-.Ltmp15, $2  }
0x145: {  	_ =	sdelay $0x2  }
0x146: {  	s13 =	sadd.s32 $0x40, s13;
	[tilespmem:s15+$0x17600] =	vst v2  }
0x147: {  	s13 =	sadd.s32 $0x9440, s11;
	s15 =	rddreg [dreg:$0xc]  }
0x148: {  	[hbm4b:s15+s4] =	stream.linear.scatter [tilespmem:s3], [sflag:$0x5], $0x4A20, $0x38;
	[tilespmem:$0x1C100] =	vst v63  }
0x149: {  	s13 =	sshrl.u32 s13, $0x3  }
0x14a: {  	s13 =	sadd.s32 s1, s13  }
0x14b: {  	[tilespmem:s28], [sflag:$0x2] =	stream.linear.gather [hbm4b:s13+s4], $0x4A28, $0x38;
	[tilespmem:$0x1C100] =	vst v63  }
0x14c: {  	_ =	swait.ge [sflag:s2], $0x4A28  }
0x14d: {  	[sflag:s2] =	ssyncset.done $0x0  }
0x14e: {  	[sflag:s2] =	ssyncadd.s32 $0xFFFFB5D8  }
0x14f: {  	_ =	swait.ge [sflag:s9], $0x4A20  }
0x150: {  	[sflag:s9] =	ssyncset.done $0x0  }
0x151: {  	s13 =	sor.u32 $0x9740, s12;
	[sflag:s9] =	ssyncadd.s32 $0xFFFFB5E0  }
0x152: {  	v5 =	vld [tilespmem:s13+$0x30]  }
0x153: {  	v6 =	vld [tilespmem:s13+$0xFFFFFFD0]  }
0x154: {  	v7 =	vld [tilespmem:s13+$0xFFFFFFE0]  }
0x155: {  	v2 =	vld [tilespmem:s13+$0xFFFFFFF0]  }
0x156: {  	s15 =	simm.s32 $0x176C0;
	v3 =	vld [tilespmem:s13+$0x0]  }
0x157: {  	v4 =	vld [tilespmem:s13+$0x10];
	[tilespmem:s15+$0x30] =	vst v5  }
0x158: {  	[tilespmem:s15+$0xFFFFFFD0] =	vst v6;
	v5 =	vld [tilespmem:s13+$0x20]  }
0x159: {  	s16 =	simm.s32 $0x0;
	s12 =	sshll.u32 s12, $0x2;
	s17 =	sadd.s32 $0x80, s13;
	v6 =	vld [tilespmem:s13+$0xFFFFFFC0];
	[tilespmem:s15+$0xFFFFFFE0] =	vst v7  }
.LBB2_34:
0x15a: {  	v7 =	vld [tilespmem:s17+$0x30];
	s16 =	sadd.s32 $0x8, s16;
	[tilespmem:s15+$0xFFFFFFF0] =	vst v2  }
0x15b: {  	v8 =	vld [tilespmem:s17+$0xFFFFFFD0];
	p0 =	slt.u32 s16, $0x498;
	[tilespmem:s15+$0x0] =	vst v3  }
0x15c: {  	v9 =	vld [tilespmem:s17+$0xFFFFFFE0];
	[tilespmem:s15+$0x10] =	vst v4  }
.Ltmp16:
0x15d: {  	v2 =	vld [tilespmem:s17+$0xFFFFFFF0];
	[tilespmem:s15+$0x20] =	vst v5;
	(pc) =	sbr.rel @p0 .LBB2_34-.Ltmp16, $4  }
0x15e: {  	v3 =	vld [tilespmem:s17+$0x0];
	[tilespmem:s15+$0xFFFFFFC0] =	vst v6;
	s15 =	sadd.s32 $0x80, s15  }
0x15f: {  	v4 =	vld [tilespmem:s17+$0x10];
	[tilespmem:s15+$0x30] =	vst v7  }
0x160: {  	[tilespmem:s15+$0xFFFFFFD0] =	vst v8;
	v5 =	vld [tilespmem:s17+$0x20]  }
0x161: {  	v6 =	vld [tilespmem:s17+$0xFFFFFFC0];
	[tilespmem:s15+$0xFFFFFFE0] =	vst v9;
	s17 =	sadd.s32 $0x80, s17  }
0x162: {  	s16 =	sshrl.u32 s12, $0x2  }
0x163: {  	[tilespmem:s15+$0xFFFFFFF0] =	vst v2;
	s17 =	sor.u32 $0xE100, s16  }
0x164: {  	[tilespmem:s15+$0x0] =	vst v3;
	v2 =	vmov s17  }
0x165: {  	[tilespmem:s15+$0x10] =	vst v4  }
0x166: {  	[tilespmem:s15+$0x20] =	vst v5  }
0x167: {  	s12 =	simm.s32 $0x0;
	[tilespmem:s15+$0xFFFFFFC0] =	vst v6  }
.LBB2_36:
0x168: {  	s15 =	sshra.s32 s12, $0x2  }
0x169: {  	p0 =	sne.s32 s12, $0x40;
	v3 =	vld.idx.msk [tilespmem:v2+s15+$0x0 ss:$0x1], $0xffff  }
.Ltmp17:
0x16a: {  	_ = 	snop;
	(pc) =	sbr.rel @p0 .LBB2_36-.Ltmp17, $2  }
0x16b: {  	_ =	sdelay $0x2  }
0x16c: {  	s12 =	sadd.s32 $0x40, s12;
	[tilespmem:s15+$0x1C080] =	vst v3  }
0x16d: {  	s12 =	sadd.s32 $0xDE60, s11  }
0x16e: {  	[hbm4b:s14+s4] =	stream.linear.scatter [tilespmem:s5], [sflag:$0x6], $0x4A20, $0x38;
	[tilespmem:$0x1C100] =	vst v63  }
0x16f: {  	s12 =	sshrl.u32 s12, $0x3  }
0x170: {  	s12 =	sadd.s32 s1, s12  }
0x171: {  	[tilespmem:s29], [sflag:$0x3] =	stream.linear.gather [hbm4b:s12+s4], $0x4A28, $0x38;
	[tilespmem:$0x1C100] =	vst v63  }
0x172: {  	_ =	swait.ge [sflag:s30], $0x4A28  }
0x173: {  	[sflag:s30] =	ssyncset.done $0x0  }
0x174: {  	[sflag:s30] =	ssyncadd.s32 $0xFFFFB5D8  }
0x175: {  	_ =	swait.ge [sflag:s7], $0x4A20  }
0x176: {  	[sflag:s7] =	ssyncset.done $0x0  }
0x177: {  	s12 =	sor.u32 $0x240, s16;
	[sflag:s7] =	ssyncadd.s32 $0xFFFFB5E0  }
0x178: {  	v6 =	vld [tilespmem:s12+$0x30]  }
0x179: {  	v7 =	vld [tilespmem:s12+$0xFFFFFFD0]  }
0x17a: {  	v8 =	vld [tilespmem:s12+$0xFFFFFFE0]  }
0x17b: {  	v3 =	vld [tilespmem:s12+$0xFFFFFFF0]  }
0x17c: {  	s15 =	simm.s32 $0xE1C0;
	v4 =	vld [tilespmem:s12+$0x0]  }
0x17d: {  	v5 =	vld [tilespmem:s12+$0x10];
	[tilespmem:s15+$0x30] =	vst v6  }
0x17e: {  	[tilespmem:s15+$0xFFFFFFD0] =	vst v7;
	v7 =	vld [tilespmem:s12+$0x20]  }
0x17f: {  	s17 =	simm.s32 $0x0;
	s18 =	sadd.s32 $0x80, s12;
	v6 =	vld [tilespmem:s12+$0xFFFFFFC0];
	[tilespmem:s15+$0xFFFFFFE0] =	vst v8  }
.LBB2_38:
0x180: {  	v8 =	vld [tilespmem:s18+$0x30];
	s17 =	sadd.s32 $0x8, s17;
	[tilespmem:s15+$0xFFFFFFF0] =	vst v3  }
0x181: {  	v9 =	vld [tilespmem:s18+$0xFFFFFFD0];
	p0 =	slt.u32 s17, $0x498;
	[tilespmem:s15+$0x0] =	vst v4  }
0x182: {  	v10 =	vld [tilespmem:s18+$0xFFFFFFE0];
	[tilespmem:s15+$0x10] =	vst v5  }
.Ltmp18:
0x183: {  	v3 =	vld [tilespmem:s18+$0xFFFFFFF0];
	[tilespmem:s15+$0x20] =	vst v7;
	(pc) =	sbr.rel @p0 .LBB2_38-.Ltmp18, $4  }
0x184: {  	v4 =	vld [tilespmem:s18+$0x0];
	[tilespmem:s15+$0xFFFFFFC0] =	vst v6;
	s15 =	sadd.s32 $0x80, s15  }
0x185: {  	v5 =	vld [tilespmem:s18+$0x10];
	[tilespmem:s15+$0x30] =	vst v8  }
0x186: {  	[tilespmem:s15+$0xFFFFFFD0] =	vst v9;
	v7 =	vld [tilespmem:s18+$0x20]  }
0x187: {  	v6 =	vld [tilespmem:s18+$0xFFFFFFC0];
	[tilespmem:s15+$0xFFFFFFE0] =	vst v10;
	s18 =	sadd.s32 $0x80, s18  }
0x188: {  	[tilespmem:s15+$0xFFFFFFF0] =	vst v3;
	s17 =	sor.u32 $0x4C00, s16  }
0x189: {  	[tilespmem:s15+$0x0] =	vst v4;
	v3 =	vmov s17  }
0x18a: {  	[tilespmem:s15+$0x10] =	vst v5  }
0x18b: {  	[tilespmem:s15+$0x20] =	vst v7  }
0x18c: {  	[tilespmem:s15+$0xFFFFFFC0] =	vst v6;
	s15 =	simm.s32 $0x0  }
.LBB2_40:
0x18d: {  	s17 =	sshra.s32 s15, $0x2  }
0x18e: {  	p0 =	sne.s32 s15, $0x40;
	v4 =	vld.idx.msk [tilespmem:v3+s17+$0x0 ss:$0x1], $0xffff  }
.Ltmp19:
0x18f: {  	_ = 	snop;
	(pc) =	sbr.rel @p0 .LBB2_40-.Ltmp19, $2  }
0x190: {  	_ =	sdelay $0x2  }
0x191: {  	s15 =	sadd.s32 $0x40, s15;
	[tilespmem:s17+$0x12B80] =	vst v4  }
0x192: {  	s15 =	sadd.s32 $0x12880, s11;
	s17 =	rddreg [dreg:$0xd]  }
0x193: {  	[hbm4b:s17+s4] =	stream.linear.scatter [tilespmem:s31], [sflag:$0x4], $0x4A20, $0x38;
	[tilespmem:$0x1C100] =	vst v63  }
0x194: {  	s15 =	sshrl.u32 s15, $0x3  }
0x195: {  	s15 =	sadd.s32 s1, s15  }
0x196: {  	[tilespmem:s26], [sflag:$0x1] =	stream.linear.gather [hbm4b:s15+s4], $0x4A28, $0x38;
	[tilespmem:$0x1C100] =	vst v63  }
0x197: {  	_ =	swait.ge [sflag:s0], $0x4A28  }
0x198: {  	[sflag:s0] =	ssyncset.done $0x0  }
0x199: {  	[sflag:s0] =	ssyncadd.s32 $0xFFFFB5D8  }
0x19a: {  	_ =	swait.ge [sflag:s8], $0x4A20  }
0x19b: {  	[sflag:s8] =	ssyncset.done $0x0  }
0x19c: {  	s15 =	sor.u32 $0x4CC0, s16;
	[sflag:s8] =	ssyncadd.s32 $0xFFFFB5E0  }
0x19d: {  	v7 =	vld [tilespmem:s15+$0x30]  }
0x19e: {  	v8 =	vld [tilespmem:s15+$0xFFFFFFD0]  }
0x19f: {  	v9 =	vld [tilespmem:s15+$0xFFFFFFE0]  }
0x1a0: {  	v4 =	vld [tilespmem:s15+$0xFFFFFFF0]  }
0x1a1: {  	s17 =	simm.s32 $0x12C40;
	v5 =	vld [tilespmem:s15+$0x0]  }
0x1a2: {  	v6 =	vld [tilespmem:s15+$0x10];
	[tilespmem:s17+$0x30] =	vst v7  }
0x1a3: {  	[tilespmem:s17+$0xFFFFFFD0] =	vst v8;
	v8 =	vld [tilespmem:s15+$0x20]  }
0x1a4: {  	s18 =	simm.s32 $0x0;
	s19 =	sadd.s32 $0x80, s15;
	v7 =	vld [tilespmem:s15+$0xFFFFFFC0];
	[tilespmem:s17+$0xFFFFFFE0] =	vst v9  }
.LBB2_42:
0x1a5: {  	v9 =	vld [tilespmem:s19+$0x30];
	s18 =	sadd.s32 $0x8, s18;
	[tilespmem:s17+$0xFFFFFFF0] =	vst v4  }
0x1a6: {  	v10 =	vld [tilespmem:s19+$0xFFFFFFD0];
	p0 =	slt.u32 s18, $0x498;
	[tilespmem:s17+$0x0] =	vst v5  }
0x1a7: {  	v11 =	vld [tilespmem:s19+$0xFFFFFFE0];
	[tilespmem:s17+$0x10] =	vst v6  }
.Ltmp20:
0x1a8: {  	v4 =	vld [tilespmem:s19+$0xFFFFFFF0];
	[tilespmem:s17+$0x20] =	vst v8;
	(pc) =	sbr.rel @p0 .LBB2_42-.Ltmp20, $4  }
0x1a9: {  	v5 =	vld [tilespmem:s19+$0x0];
	[tilespmem:s17+$0xFFFFFFC0] =	vst v7;
	s17 =	sadd.s32 $0x80, s17  }
0x1aa: {  	v6 =	vld [tilespmem:s19+$0x10];
	[tilespmem:s17+$0x30] =	vst v9  }
0x1ab: {  	[tilespmem:s17+$0xFFFFFFD0] =	vst v10;
	v8 =	vld [tilespmem:s19+$0x20]  }
0x1ac: {  	v7 =	vld [tilespmem:s19+$0xFFFFFFC0];
	[tilespmem:s17+$0xFFFFFFE0] =	vst v11;
	s19 =	sadd.s32 $0x80, s19  }
0x1ad: {  	[tilespmem:s17+$0xFFFFFFF0] =	vst v4;
	s18 =	sor.u32 $0x9680, s16  }
0x1ae: {  	[tilespmem:s17+$0x0] =	vst v5;
	v4 =	vmov s18  }
0x1af: {  	[tilespmem:s17+$0x10] =	vst v6  }
0x1b0: {  	[tilespmem:s17+$0x20] =	vst v8  }
0x1b1: {  	s16 =	simm.s32 $0x0;
	[tilespmem:s17+$0xFFFFFFC0] =	vst v7  }
.LBB2_44:
0x1b2: {  	s17 =	sshra.s32 s16, $0x2  }
0x1b3: {  	p0 =	sne.s32 s16, $0x40;
	v5 =	vld.idx.msk [tilespmem:v4+s17+$0x0 ss:$0x1], $0xffff  }
.Ltmp21:
0x1b4: {  	_ = 	snop;
	(pc) =	sbr.rel @p0 .LBB2_44-.Ltmp21, $2  }
0x1b5: {  	_ =	sdelay $0x2  }
0x1b6: {  	s16 =	sadd.s32 $0x40, s16;
	[tilespmem:s17+$0x17600] =	vst v5  }
0x1b7: {  	s16 =	sadd.s32 $0x172A0, s11;
	s17 =	rddreg [dreg:$0xe]  }
0x1b8: {  	[hbm4b:s17+s4] =	stream.linear.scatter [tilespmem:s3], [sflag:$0x5], $0x4A20, $0x38;
	[tilespmem:$0x1C100] =	vst v63  }
0x1b9: {  	s16 =	sshrl.u32 s16, $0x3  }
0x1ba: {  	s16 =	sadd.s32 s1, s16  }
0x1bb: {  	[tilespmem:s28], [sflag:$0x2] =	stream.linear.gather [hbm4b:s16+s4], $0x4A28, $0x38;
	[tilespmem:$0x1C100] =	vst v63  }
0x1bc: {  	_ =	swait.ge [sflag:s2], $0x4A28  }
0x1bd: {  	[sflag:s2] =	ssyncset.done $0x0  }
0x1be: {  	[sflag:s2] =	ssyncadd.s32 $0xFFFFB5D8  }
0x1bf: {  	_ =	swait.ge [sflag:s9], $0x4A20  }
0x1c0: {  	[sflag:s9] =	ssyncset.done $0x0  }
0x1c1: {  	[sflag:s9] =	ssyncadd.s32 $0xFFFFB5E0  }
0x1c2: {  	v8 =	vld [tilespmem:s13+$0x30]  }
0x1c3: {  	v9 =	vld [tilespmem:s13+$0xFFFFFFD0]  }
0x1c4: {  	v10 =	vld [tilespmem:s13+$0xFFFFFFE0]  }
0x1c5: {  	v5 =	vld [tilespmem:s13+$0xFFFFFFF0]  }
0x1c6: {  	s16 =	simm.s32 $0x176C0;
	v6 =	vld [tilespmem:s13+$0x0]  }
0x1c7: {  	v7 =	vld [tilespmem:s13+$0x10];
	[tilespmem:s16+$0x30] =	vst v8  }
0x1c8: {  	[tilespmem:s16+$0xFFFFFFD0] =	vst v9;
	v8 =	vld [tilespmem:s13+$0x20]  }
0x1c9: {  	s18 =	sadd.s32 $0x80, s13;
	s17 =	simm.s32 $0x0;
	v9 =	vld [tilespmem:s13+$0xFFFFFFC0];
	[tilespmem:s16+$0xFFFFFFE0] =	vst v10  }
.LBB2_46:
0x1ca: {  	v10 =	vld [tilespmem:s18+$0x30];
	s17 =	sadd.s32 $0x8, s17;
	[tilespmem:s16+$0xFFFFFFF0] =	vst v5  }
0x1cb: {  	v11 =	vld [tilespmem:s18+$0xFFFFFFD0];
	p0 =	slt.u32 s17, $0x498;
	[tilespmem:s16+$0x0] =	vst v6  }
0x1cc: {  	v12 =	vld [tilespmem:s18+$0xFFFFFFE0];
	[tilespmem:s16+$0x10] =	vst v7  }
.Ltmp22:
0x1cd: {  	v5 =	vld [tilespmem:s18+$0xFFFFFFF0];
	[tilespmem:s16+$0x20] =	vst v8;
	(pc) =	sbr.rel @p0 .LBB2_46-.Ltmp22, $4  }
0x1ce: {  	v6 =	vld [tilespmem:s18+$0x0];
	[tilespmem:s16+$0xFFFFFFC0] =	vst v9;
	s16 =	sadd.s32 $0x80, s16  }
0x1cf: {  	v7 =	vld [tilespmem:s18+$0x10];
	[tilespmem:s16+$0x30] =	vst v10  }
0x1d0: {  	[tilespmem:s16+$0xFFFFFFD0] =	vst v11;
	v8 =	vld [tilespmem:s18+$0x20]  }
0x1d1: {  	v9 =	vld [tilespmem:s18+$0xFFFFFFC0];
	[tilespmem:s16+$0xFFFFFFE0] =	vst v12;
	s18 =	sadd.s32 $0x80, s18  }
0x1d2: {  	[tilespmem:s16+$0xFFFFFFF0] =	vst v5  }
0x1d3: {  	[tilespmem:s16+$0x0] =	vst v6  }
0x1d4: {  	[tilespmem:s16+$0x10] =	vst v7  }
0x1d5: {  	[tilespmem:s16+$0x20] =	vst v8  }
0x1d6: {  	[tilespmem:s16+$0xFFFFFFC0] =	vst v9;
	s16 =	simm.s32 $0x0  }
.LBB2_48:
0x1d7: {  	s17 =	sshra.s32 s16, $0x2  }
0x1d8: {  	p0 =	sne.s32 s16, $0x40;
	v5 =	vld.idx.msk [tilespmem:v2+s17+$0x0 ss:$0x1], $0xffff  }
.Ltmp23:
0x1d9: {  	_ = 	snop;
	(pc) =	sbr.rel @p0 .LBB2_48-.Ltmp23, $2  }
0x1da: {  	_ =	sdelay $0x2  }
0x1db: {  	s16 =	sadd.s32 $0x40, s16;
	[tilespmem:s17+$0x1C080] =	vst v5  }
0x1dc: {  	s16 =	sadd.s32 $0x1BCC0, s11;
	s17 =	rddreg [dreg:$0xf]  }
0x1dd: {  	[hbm4b:s17+s4] =	stream.linear.scatter [tilespmem:s5], [sflag:$0x6], $0x4A20, $0x38;
	[tilespmem:$0x1C100] =	vst v63  }
0x1de: {  	s16 =	sshrl.u32 s16, $0x3  }
0x1df: {  	s16 =	sadd.s32 s1, s16  }
0x1e0: {  	[tilespmem:s29], [sflag:$0x3] =	stream.linear.gather [hbm4b:s16+s4], $0x4A28, $0x38;
	[tilespmem:$0x1C100] =	vst v63  }
0x1e1: {  	_ =	swait.ge [sflag:s30], $0x4A28  }
0x1e2: {  	[sflag:s30] =	ssyncset.done $0x0  }
0x1e3: {  	[sflag:s30] =	ssyncadd.s32 $0xFFFFB5D8  }
0x1e4: {  	_ =	swait.ge [sflag:s7], $0x4A20  }
0x1e5: {  	[sflag:s7] =	ssyncset.done $0x0  }
0x1e6: {  	[sflag:s7] =	ssyncadd.s32 $0xFFFFB5E0  }
0x1e7: {  	v8 =	vld [tilespmem:s12+$0x30]  }
0x1e8: {  	v9 =	vld [tilespmem:s12+$0xFFFFFFD0]  }
0x1e9: {  	v10 =	vld [tilespmem:s12+$0xFFFFFFE0]  }
0x1ea: {  	v5 =	vld [tilespmem:s12+$0xFFFFFFF0]  }
0x1eb: {  	s16 =	simm.s32 $0xE1C0;
	v6 =	vld [tilespmem:s12+$0x0]  }
0x1ec: {  	v7 =	vld [tilespmem:s12+$0x10];
	[tilespmem:s16+$0x30] =	vst v8  }
0x1ed: {  	[tilespmem:s16+$0xFFFFFFD0] =	vst v9;
	v8 =	vld [tilespmem:s12+$0x20]  }
0x1ee: {  	s18 =	sadd.s32 $0x80, s12;
	s17 =	simm.s32 $0x0;
	v9 =	vld [tilespmem:s12+$0xFFFFFFC0];
	[tilespmem:s16+$0xFFFFFFE0] =	vst v10  }
.LBB2_50:
0x1ef: {  	v10 =	vld [tilespmem:s18+$0x30];
	s17 =	sadd.s32 $0x8, s17;
	[tilespmem:s16+$0xFFFFFFF0] =	vst v5  }
0x1f0: {  	v11 =	vld [tilespmem:s18+$0xFFFFFFD0];
	p0 =	slt.u32 s17, $0x498;
	[tilespmem:s16+$0x0] =	vst v6  }
0x1f1: {  	v12 =	vld [tilespmem:s18+$0xFFFFFFE0];
	[tilespmem:s16+$0x10] =	vst v7  }
.Ltmp24:
0x1f2: {  	v5 =	vld [tilespmem:s18+$0xFFFFFFF0];
	[tilespmem:s16+$0x20] =	vst v8;
	(pc) =	sbr.rel @p0 .LBB2_50-.Ltmp24, $4  }
0x1f3: {  	v6 =	vld [tilespmem:s18+$0x0];
	[tilespmem:s16+$0xFFFFFFC0] =	vst v9;
	s16 =	sadd.s32 $0x80, s16  }
0x1f4: {  	v7 =	vld [tilespmem:s18+$0x10];
	[tilespmem:s16+$0x30] =	vst v10  }
0x1f5: {  	[tilespmem:s16+$0xFFFFFFD0] =	vst v11;
	v8 =	vld [tilespmem:s18+$0x20]  }
0x1f6: {  	v9 =	vld [tilespmem:s18+$0xFFFFFFC0];
	[tilespmem:s16+$0xFFFFFFE0] =	vst v12;
	s18 =	sadd.s32 $0x80, s18  }
0x1f7: {  	[tilespmem:s16+$0xFFFFFFF0] =	vst v5  }
0x1f8: {  	[tilespmem:s16+$0x0] =	vst v6  }
0x1f9: {  	[tilespmem:s16+$0x10] =	vst v7  }
0x1fa: {  	[tilespmem:s16+$0x20] =	vst v8  }
0x1fb: {  	[tilespmem:s16+$0xFFFFFFC0] =	vst v9;
	s16 =	simm.s32 $0x0  }
.LBB2_52:
0x1fc: {  	s17 =	sshra.s32 s16, $0x2  }
0x1fd: {  	p0 =	sne.s32 s16, $0x40;
	v5 =	vld.idx.msk [tilespmem:v3+s17+$0x0 ss:$0x1], $0xffff  }
.Ltmp25:
0x1fe: {  	_ = 	snop;
	(pc) =	sbr.rel @p0 .LBB2_52-.Ltmp25, $2  }
0x1ff: {  	_ =	sdelay $0x2  }
0x200: {  	s16 =	sadd.s32 $0x40, s16;
	[tilespmem:s17+$0x12B80] =	vst v5  }
0x201: {  	s11 =	sadd.s32 $0x206E0, s11;
	s16 =	rddreg [dreg:$0x10]  }
0x202: {  	[hbm4b:s16+s4] =	stream.linear.scatter [tilespmem:s31], [sflag:$0x4], $0x4A20, $0x38;
	[tilespmem:$0x1C100] =	vst v63  }
0x203: {  	s11 =	sshrl.u32 s11, $0x3  }
0x204: {  	s11 =	sadd.s32 s1, s11  }
0x205: {  	[tilespmem:s26], [sflag:$0x1] =	stream.linear.gather [hbm4b:s11+s4], $0x4A28, $0x38;
	[tilespmem:$0x1C100] =	vst v63  }
0x206: {  	_ =	swait.ge [sflag:s0], $0x4A28  }
0x207: {  	[sflag:s0] =	ssyncset.done $0x0  }
0x208: {  	[sflag:s0] =	ssyncadd.s32 $0xFFFFB5D8  }
0x209: {  	_ =	swait.ge [sflag:s8], $0x4A20  }
0x20a: {  	[sflag:s8] =	ssyncset.done $0x0  }
0x20b: {  	[sflag:s8] =	ssyncadd.s32 $0xFFFFB5E0  }
0x20c: {  	v8 =	vld [tilespmem:s15+$0x30]  }
0x20d: {  	v9 =	vld [tilespmem:s15+$0xFFFFFFD0]  }
0x20e: {  	v10 =	vld [tilespmem:s15+$0xFFFFFFE0]  }
0x20f: {  	v5 =	vld [tilespmem:s15+$0xFFFFFFF0]  }
0x210: {  	s11 =	simm.s32 $0x12C40;
	v6 =	vld [tilespmem:s15+$0x0]  }
0x211: {  	v7 =	vld [tilespmem:s15+$0x10];
	[tilespmem:s11+$0x30] =	vst v8  }
0x212: {  	[tilespmem:s11+$0xFFFFFFD0] =	vst v9;
	v8 =	vld [tilespmem:s15+$0x20]  }
0x213: {  	s16 =	simm.s32 $0x0;
	v9 =	vld [tilespmem:s15+$0xFFFFFFC0];
	[tilespmem:s11+$0xFFFFFFE0] =	vst v10;
	s15 =	sadd.s32 $0x80, s15  }
.LBB2_54:
0x214: {  	v10 =	vld [tilespmem:s15+$0x30];
	s16 =	sadd.s32 $0x8, s16;
	[tilespmem:s11+$0xFFFFFFF0] =	vst v5  }
0x215: {  	v11 =	vld [tilespmem:s15+$0xFFFFFFD0];
	p0 =	slt.u32 s16, $0x498;
	[tilespmem:s11+$0x0] =	vst v6  }
0x216: {  	v12 =	vld [tilespmem:s15+$0xFFFFFFE0];
	[tilespmem:s11+$0x10] =	vst v7  }
.Ltmp26:
0x217: {  	v5 =	vld [tilespmem:s15+$0xFFFFFFF0];
	[tilespmem:s11+$0x20] =	vst v8;
	(pc) =	sbr.rel @p0 .LBB2_54-.Ltmp26, $4  }
0x218: {  	v6 =	vld [tilespmem:s15+$0x0];
	[tilespmem:s11+$0xFFFFFFC0] =	vst v9;
	s11 =	sadd.s32 $0x80, s11  }
0x219: {  	v7 =	vld [tilespmem:s15+$0x10];
	[tilespmem:s11+$0x30] =	vst v10  }
0x21a: {  	[tilespmem:s11+$0xFFFFFFD0] =	vst v11;
	v8 =	vld [tilespmem:s15+$0x20]  }
0x21b: {  	v9 =	vld [tilespmem:s15+$0xFFFFFFC0];
	[tilespmem:s11+$0xFFFFFFE0] =	vst v12;
	s15 =	sadd.s32 $0x80, s15  }
0x21c: {  	[tilespmem:s11+$0xFFFFFFF0] =	vst v5  }
0x21d: {  	[tilespmem:s11+$0x0] =	vst v6  }
0x21e: {  	[tilespmem:s11+$0x10] =	vst v7  }
0x21f: {  	[tilespmem:s11+$0x20] =	vst v8  }
0x220: {  	[tilespmem:s11+$0xFFFFFFC0] =	vst v9;
	s11 =	simm.s32 $0x0  }
.LBB2_56:
0x221: {  	s15 =	sshra.s32 s11, $0x2  }
0x222: {  	p0 =	sne.s32 s11, $0x40;
	v5 =	vld.idx.msk [tilespmem:v4+s15+$0x0 ss:$0x1], $0xffff  }
.Ltmp27:
0x223: {  	_ = 	snop;
	(pc) =	sbr.rel @p0 .LBB2_56-.Ltmp27, $2  }
0x224: {  	_ =	sdelay $0x2  }
0x225: {  	s11 =	sadd.s32 $0x40, s11;
	[tilespmem:s15+$0x17600] =	vst v5  }
0x226: {  	s11 =	rddreg [dreg:$0x11]  }
0x227: {  	[hbm4b:s11+s4] =	stream.linear.scatter [tilespmem:s3], [sflag:$0x5], $0x4A20, $0x38;
	[tilespmem:$0x1C100] =	vst v63  }
0x228: {  	_ =	swait.ge [sflag:s2], $0x4A28  }
0x229: {  	[sflag:s2] =	ssyncset.done $0x0  }
0x22a: {  	[sflag:s2] =	ssyncadd.s32 $0xFFFFB5D8  }
0x22b: {  	_ =	swait.ge [sflag:s9], $0x4A20  }
0x22c: {  	[sflag:s9] =	ssyncset.done $0x0  }
0x22d: {  	[sflag:s9] =	ssyncadd.s32 $0xFFFFB5E0  }
0x22e: {  	v7 =	vld [tilespmem:s13+$0x30]  }
0x22f: {  	v8 =	vld [tilespmem:s13+$0xFFFFFFD0]  }
0x230: {  	v9 =	vld [tilespmem:s13+$0xFFFFFFE0]  }
0x231: {  	v4 =	vld [tilespmem:s13+$0xFFFFFFF0]  }
0x232: {  	s11 =	simm.s32 $0x176C0;
	v5 =	vld [tilespmem:s13+$0x0]  }
0x233: {  	v6 =	vld [tilespmem:s13+$0x10];
	[tilespmem:s11+$0x30] =	vst v7  }
0x234: {  	[tilespmem:s11+$0xFFFFFFD0] =	vst v8;
	v7 =	vld [tilespmem:s13+$0x20]  }
0x235: {  	s15 =	simm.s32 $0x0;
	v8 =	vld [tilespmem:s13+$0xFFFFFFC0];
	[tilespmem:s11+$0xFFFFFFE0] =	vst v9;
	s13 =	sadd.s32 $0x80, s13  }
.LBB2_58:
0x236: {  	v9 =	vld [tilespmem:s13+$0x30];
	s15 =	sadd.s32 $0x8, s15;
	[tilespmem:s11+$0xFFFFFFF0] =	vst v4  }
0x237: {  	v10 =	vld [tilespmem:s13+$0xFFFFFFD0];
	p0 =	slt.u32 s15, $0x498;
	[tilespmem:s11+$0x0] =	vst v5  }
0x238: {  	v11 =	vld [tilespmem:s13+$0xFFFFFFE0];
	[tilespmem:s11+$0x10] =	vst v6  }
.Ltmp28:
0x239: {  	v4 =	vld [tilespmem:s13+$0xFFFFFFF0];
	[tilespmem:s11+$0x20] =	vst v7;
	(pc) =	sbr.rel @p0 .LBB2_58-.Ltmp28, $4  }
0x23a: {  	v5 =	vld [tilespmem:s13+$0x0];
	[tilespmem:s11+$0xFFFFFFC0] =	vst v8;
	s11 =	sadd.s32 $0x80, s11  }
0x23b: {  	v6 =	vld [tilespmem:s13+$0x10];
	[tilespmem:s11+$0x30] =	vst v9  }
0x23c: {  	[tilespmem:s11+$0xFFFFFFD0] =	vst v10;
	v7 =	vld [tilespmem:s13+$0x20]  }
0x23d: {  	v8 =	vld [tilespmem:s13+$0xFFFFFFC0];
	[tilespmem:s11+$0xFFFFFFE0] =	vst v11;
	s13 =	sadd.s32 $0x80, s13  }
0x23e: {  	[tilespmem:s11+$0xFFFFFFF0] =	vst v4  }
0x23f: {  	[tilespmem:s11+$0x0] =	vst v5  }
0x240: {  	[tilespmem:s11+$0x10] =	vst v6  }
0x241: {  	[tilespmem:s11+$0x20] =	vst v7  }
0x242: {  	[tilespmem:s11+$0xFFFFFFC0] =	vst v8;
	s11 =	simm.s32 $0x0  }
.LBB2_60:
0x243: {  	s13 =	sshra.s32 s11, $0x2  }
0x244: {  	p0 =	sne.s32 s11, $0x40;
	v4 =	vld.idx.msk [tilespmem:v2+s13+$0x0 ss:$0x1], $0xffff  }
.Ltmp29:
0x245: {  	_ = 	snop;
	(pc) =	sbr.rel @p0 .LBB2_60-.Ltmp29, $2  }
0x246: {  	_ =	sdelay $0x2  }
0x247: {  	s11 =	sadd.s32 $0x40, s11;
	[tilespmem:s13+$0x1C080] =	vst v4  }
0x248: {  	s11 =	rddreg [dreg:$0x12]  }
0x249: {  	[hbm4b:s11+s4] =	stream.linear.scatter [tilespmem:s5], [sflag:$0x6], $0x4A20, $0x38;
	[tilespmem:$0x1C100] =	vst v63  }
0x24a: {  	_ =	swait.ge [sflag:s30], $0x4A28  }
0x24b: {  	[sflag:s30] =	ssyncset.done $0x0  }
0x24c: {  	[sflag:s30] =	ssyncadd.s32 $0xFFFFB5D8  }
0x24d: {  	_ =	swait.ge [sflag:s7], $0x4A20  }
0x24e: {  	[sflag:s7] =	ssyncset.done $0x0  }
0x24f: {  	[sflag:s7] =	ssyncadd.s32 $0xFFFFB5E0  }
0x250: {  	v6 =	vld [tilespmem:s12+$0x30]  }
0x251: {  	v7 =	vld [tilespmem:s12+$0xFFFFFFD0]  }
0x252: {  	v8 =	vld [tilespmem:s12+$0xFFFFFFE0]  }
0x253: {  	v2 =	vld [tilespmem:s12+$0xFFFFFFF0]  }
0x254: {  	s11 =	simm.s32 $0xE1C0;
	v4 =	vld [tilespmem:s12+$0x0]  }
0x255: {  	v5 =	vld [tilespmem:s12+$0x10];
	[tilespmem:s11+$0x30] =	vst v6  }
0x256: {  	[tilespmem:s11+$0xFFFFFFD0] =	vst v7;
	v6 =	vld [tilespmem:s12+$0x20]  }
0x257: {  	s13 =	simm.s32 $0x0;
	v7 =	vld [tilespmem:s12+$0xFFFFFFC0];
	[tilespmem:s11+$0xFFFFFFE0] =	vst v8;
	s12 =	sadd.s32 $0x80, s12  }
.LBB2_62:
0x258: {  	v8 =	vld [tilespmem:s12+$0x30];
	s13 =	sadd.s32 $0x8, s13;
	[tilespmem:s11+$0xFFFFFFF0] =	vst v2  }
0x259: {  	v9 =	vld [tilespmem:s12+$0xFFFFFFD0];
	p0 =	slt.u32 s13, $0x498;
	[tilespmem:s11+$0x0] =	vst v4  }
0x25a: {  	v10 =	vld [tilespmem:s12+$0xFFFFFFE0];
	[tilespmem:s11+$0x10] =	vst v5  }
.Ltmp30:
0x25b: {  	v2 =	vld [tilespmem:s12+$0xFFFFFFF0];
	[tilespmem:s11+$0x20] =	vst v6;
	(pc) =	sbr.rel @p0 .LBB2_62-.Ltmp30, $4  }
0x25c: {  	v4 =	vld [tilespmem:s12+$0x0];
	[tilespmem:s11+$0xFFFFFFC0] =	vst v7;
	s11 =	sadd.s32 $0x80, s11  }
0x25d: {  	v5 =	vld [tilespmem:s12+$0x10];
	[tilespmem:s11+$0x30] =	vst v8  }
0x25e: {  	[tilespmem:s11+$0xFFFFFFD0] =	vst v9;
	v6 =	vld [tilespmem:s12+$0x20]  }
0x25f: {  	v7 =	vld [tilespmem:s12+$0xFFFFFFC0];
	[tilespmem:s11+$0xFFFFFFE0] =	vst v10;
	s12 =	sadd.s32 $0x80, s12  }
0x260: {  	[tilespmem:s11+$0xFFFFFFF0] =	vst v2  }
0x261: {  	[tilespmem:s11+$0x0] =	vst v4  }
0x262: {  	[tilespmem:s11+$0x10] =	vst v5  }
0x263: {  	[tilespmem:s11+$0x20] =	vst v6  }
0x264: {  	[tilespmem:s11+$0xFFFFFFC0] =	vst v7;
	s11 =	simm.s32 $0x0  }
.LBB2_64:
0x265: {  	s12 =	sshra.s32 s11, $0x2  }
0x266: {  	p0 =	sne.s32 s11, $0x40;
	v2 =	vld.idx.msk [tilespmem:v3+s12+$0x0 ss:$0x1], $0xffff  }
.Ltmp31:
0x267: {  	_ = 	snop;
	(pc) =	sbr.rel @p0 .LBB2_64-.Ltmp31, $2  }
0x268: {  	_ =	sdelay $0x2  }
0x269: {  	s11 =	sadd.s32 $0x40, s11;
	[tilespmem:s12+$0x12B80] =	vst v2  }
0x26a: {  	[hbm4b:s22+s4] =	stream.linear.scatter [tilespmem:s31], [sflag:$0x4], $0x4A20, $0x38;
	[tilespmem:$0x1C100] =	vst v63  }
0x26b: {  	_ =	swait.ge [sflag:s8], $0x4A20  }
0x26c: {  	[sflag:s8] =	ssyncset.done $0x0  }
0x26d: {  	s10 =	sadd.s32 $0x1, s10;
	[sflag:s8] =	ssyncadd.s32 $0xFFFFB5E0  }
0x26e: {  	p0 =	sne.s32 s10, s23;
	_ =	swait.ge [sflag:s9], $0x4A20  }
.Ltmp32:
0x26f: {  	[sflag:s9] =	ssyncset.done $0x0;
	(pc) =	sbr.rel @p0 .LBB2_1-.Ltmp32, $4  }
0x270: {  	[sflag:s9] =	ssyncadd.s32 $0xFFFFB5E0  }
0x271: {  	_ =	swait.ge [sflag:s7], $0x4A20  }
0x272: {  	[sflag:s7] =	ssyncset.done $0x0  }
0x273: {  	[sflag:s7] =	ssyncadd.s32 $0xFFFFB5E0  }
0x274: {  	_ =	sfence.sel $0x180000  }
0x275: {  	[bflag:$0x0] =	sbarrier.arrive $0xFFFF  }
0x276: {  	_ =	strace $0x90000047  }
0x277: {  	s0 =	stileid.u32;
	[bflag:$0x2] =	sbarrier.arrive $0xFFFF  }
0x278: {  	p0 =	sne.s32 s0, $0x0;
	s0 =	rddreg [dreg:$0x3]  }
0x279: {  	s0 =	sadd.s32 @!p0 $0x100000, s0  }
0x27a: {  	[sflag:s0] =	ssyncadd.tile.s32 @!p0 $0x1;
	_ =	shalt  }
.Lfunc_end2:
_tile_overlayer_lowered:
.L_overlay_start_2:
0x27b: {  	(tag) =	ssettag $0x2  }
0x27c: {  	s0 =	rddreg [dreg:$0x0];
	s2 =	stileid.u32  }
0x27d: {  	s1 =	rddreg [dreg:$0x1];
	p0 =	sne.s32 s2, $0x0  }
0x27e: {  	s3 =	rddreg [dreg:$0x2];
	[bflag:$0x3] =	sbarrier.arrive $0xFFFF;
	s2 =	simm.s32 @!p0 $0x1C07  }
0x27f: {  	[timem:s3], [sflag:s2] =	dma.local @!p0 [hbm:s0], s1  }
0x280: {  	s0 =	simm.s32 @!p0 $0x7  }
0x281: {  	_ =	swait.ge @!p0 [sflag:s0], s1  }
0x282: {  	s1 =	ssub.s32 @!p0 $0x0, s1;
	[sflag:s0] =	ssyncset.done @!p0 $0x0  }
0x283: {  	[sflag:s0] =	ssyncadd.s32 @!p0 s1  }
0x284: {  	[bflag:$0x3] =	sbarrier.arrive $0xFFFF  }
0x285: {  	_ =	shalt  }

</sc_bundles>
